<compile_context>
chip_gen: v7x
topology: tpu7x:2x2x1
jax: 0.10.2.dev20260603
libtpu: 0.0.44.dev20260713+nightly
codegen_flags: <defaults>
</compile_context>

<pallas_src>
import jax
import jax.numpy as jnp
from jax import lax
from jax.experimental import pallas as pl
from jax.experimental.pallas import tpu as pltpu
from jax.experimental.pallas import tpu_sc as plsc

NC = 2
NS = 16
NW = NC * NS
LANES = 16
CH = 128



def _zero2d(ref, nrow, ncol):
    zv = jnp.zeros((LANES,), jnp.float32)

    def zrow(i, _):
        r = i // (ncol // LANES)
        c = (i % (ncol // LANES)) * LANES
        ref[r, pl.ds(c, LANES)] = zv
        return 0

    lax.fori_loop(0, nrow * (ncol // LANES), zrow, 0)


def _zero_shared(src_v, shared, base, rpt):
    n_full, rem = divmod(rpt, CH)
    for f in range(n_full):
        pltpu.sync_copy(src_v, shared.at[pl.ds(base + f * CH, CH)])
    if rem:
        pltpu.sync_copy(src_v.at[pl.ds(0, rem)],
                        shared.at[pl.ds(base + n_full * CH, rem)])


def _build_sc_sum(Np, K, D):
    RPT = Np // NS
    mesh = plsc.VectorSubcoreMesh(core_axis_name="c", subcore_axis_name="s")

    def body(src_hbm, dst_hbm, table_hbm, sum_hbm,
             idx_s, idx_d, rows_v, accum_sh):
        cid = lax.axis_index("c")
        sid = lax.axis_index("s")
        g = cid * NS + sid
        base = sid * RPT

        _zero2d(rows_v, CH, D)
        _zero_shared(rows_v, accum_sh, base, RPT)
        pltpu.sync_copy(src_hbm.at[g], idx_s)
        pltpu.sync_copy(dst_hbm.at[g], idx_d)

        plsc.subcore_barrier()

        def step(j, _):
            pltpu.sync_copy(table_hbm.at[idx_s.at[j]], rows_v)
            pltpu.sync_copy(rows_v, accum_sh.at[idx_d.at[j]], add=True)
            return 0

        lax.fori_loop(0, K, step, 0)

        plsc.subcore_barrier()

        pltpu.sync_copy(accum_sh.at[pl.ds(base, RPT)],
                        sum_hbm.at[cid, pl.ds(base, RPT)])

    return pl.kernel(
        body,
        out_type=[jax.ShapeDtypeStruct((NC, Np, D), jnp.float32)],
        mesh=mesh,
        scratch_types=[
            pltpu.VMEM((K, CH), jnp.int32),
            pltpu.VMEM((K, CH), jnp.int32),
            pltpu.VMEM((CH, D), jnp.float32),
            pltpu.VMEM_SHARED((Np, D), jnp.float32),
        ],
    )


def _build_sc_cnt(Np, K, CW):
    RPT = Np // NS
    mesh = plsc.VectorSubcoreMesh(core_axis_name="c", subcore_axis_name="s")

    def body(dst_hbm, cnt_hbm, idx_d, ones_v, zc_v, cnt_sh):
        cid = lax.axis_index("c")
        sid = lax.axis_index("s")
        g = cid * NS + sid
        base = sid * RPT

        _zero2d(zc_v, CH, CW)
        ov = jnp.ones((LANES,), jnp.float32)

        def fill(i, _):
            r = i // (CW // LANES)
            c = (i % (CW // LANES)) * LANES
            ones_v[r, pl.ds(c, LANES)] = ov
            return 0

        lax.fori_loop(0, CH * (CW // LANES), fill, 0)
        _zero_shared(zc_v, cnt_sh, base, RPT)
        pltpu.sync_copy(dst_hbm.at[g], idx_d)

        plsc.subcore_barrier()

        def step(j, _):
            pltpu.sync_copy(ones_v, cnt_sh.at[idx_d.at[j]], add=True)
            return 0

        lax.fori_loop(0, K, step, 0)

        plsc.subcore_barrier()

        pltpu.sync_copy(cnt_sh.at[pl.ds(base, RPT)],
                        cnt_hbm.at[cid, pl.ds(base, RPT)])

    return pl.kernel(
        body,
        out_type=[jax.ShapeDtypeStruct((NC, Np, CW), jnp.float32)],
        mesh=mesh,
        scratch_types=[
            pltpu.VMEM((K, CH), jnp.int32),
            pltpu.VMEM((CH, CW), jnp.float32),
            pltpu.VMEM((CH, CW), jnp.float32),
            pltpu.VMEM_SHARED((Np, CW), jnp.float32),
        ],
    )



def _dotT(a, w):
    return lax.dot_general(a, w, (((1,), (1,)), ((), ())),
                           preferred_element_type=jnp.float32)


def _mm_relu(x, W, b, R):
    N, D = x.shape
    H = W.shape[0]

    def body(x_ref, w_ref, b_ref, o_ref):
        o_ref[...] = jnp.maximum(_dotT(x_ref[...], w_ref[...]) + b_ref[...], 0.0)

    return pl.pallas_call(
        body,
        grid=(N // R,),
        in_specs=[pl.BlockSpec((R, D), lambda i: (i, 0)),
                  pl.BlockSpec((H, D), lambda i: (0, 0)),
                  pl.BlockSpec((1, H), lambda i: (0, 0))],
        out_specs=pl.BlockSpec((R, H), lambda i: (i, 0)),
        out_shape=jax.ShapeDtypeStruct((N, H), jnp.float32),
    )(x, W, b.reshape(1, H))


def _sage_update(x_ref, s_ref, c_ref, lw_ref, lb_ref):
    s = s_ref[...]
    c = c_ref[...]
    ssum = s[0] + s[1]
    csum = c[0, :, 0:1] + c[1, :, 0:1]
    mean = ssum / jnp.maximum(csum, 1.0)
    t = jnp.maximum(_dotT(x_ref[...], lw_ref[...]) + lb_ref[...] + mean, 0.0)
    nrm = jnp.sqrt(jnp.sum(t * t, axis=1, keepdims=True))
    return jnp.maximum(t / jnp.maximum(nrm, 1e-12), 0.0)


def _upd_agg(x, sums, cnts, lin_W, lin_b, agg_W, agg_b, R):
    N, D = x.shape
    H = lin_W.shape[0]
    CW = cnts.shape[2]

    def body(x_ref, s_ref, c_ref, lw_ref, lb_ref, aw_ref, ab_ref,
             h_ref, o_ref):
        h = _sage_update(x_ref, s_ref, c_ref, lw_ref, lb_ref)
        h_ref[...] = h
        o_ref[...] = jnp.maximum(_dotT(h, aw_ref[...]) + ab_ref[...], 0.0)

    return pl.pallas_call(
        body,
        grid=(N // R,),
        in_specs=[pl.BlockSpec((R, D), lambda i: (i, 0)),
                  pl.BlockSpec((NC, R, H), lambda i: (0, i, 0)),
                  pl.BlockSpec((NC, R, CW), lambda i: (0, i, 0)),
                  pl.BlockSpec((H, D), lambda i: (0, 0)),
                  pl.BlockSpec((1, H), lambda i: (0, 0)),
                  pl.BlockSpec((H, H), lambda i: (0, 0)),
                  pl.BlockSpec((1, H), lambda i: (0, 0))],
        out_specs=[pl.BlockSpec((R, H), lambda i: (i, 0)),
                   pl.BlockSpec((R, H), lambda i: (i, 0))],
        out_shape=[jax.ShapeDtypeStruct((N, H), jnp.float32),
                   jax.ShapeDtypeStruct((N, H), jnp.float32)],
    )(x, sums, cnts, lin_W, lin_b.reshape(1, H), agg_W, agg_b.reshape(1, H))


def _upd_final(x, sums, cnts, lin_W, lin_b, W1, b1, W2, b2, R):
    N, D = x.shape
    H = lin_W.shape[0]
    O = W2.shape[0]
    CW = cnts.shape[2]

    def body(x_ref, s_ref, c_ref, lw_ref, lb_ref, w1_ref, b1_ref,
             w2_ref, b2_ref, y_ref):
        h = _sage_update(x_ref, s_ref, c_ref, lw_ref, lb_ref)
        z = _dotT(h, w1_ref[...]) + b1_ref[...]
        z = _dotT(z, w2_ref[...]) + b2_ref[...]
        m = jnp.max(z, axis=1, keepdims=True)
        zs = z - m
        y_ref[...] = zs - jnp.log(jnp.sum(jnp.exp(zs), axis=1, keepdims=True))

    return pl.pallas_call(
        body,
        grid=(N // R,),
        in_specs=[pl.BlockSpec((R, D), lambda i: (i, 0)),
                  pl.BlockSpec((NC, R, H), lambda i: (0, i, 0)),
                  pl.BlockSpec((NC, R, CW), lambda i: (0, i, 0)),
                  pl.BlockSpec((H, D), lambda i: (0, 0)),
                  pl.BlockSpec((1, H), lambda i: (0, 0)),
                  pl.BlockSpec((H, H), lambda i: (0, 0)),
                  pl.BlockSpec((1, H), lambda i: (0, 0)),
                  pl.BlockSpec((O, H), lambda i: (0, 0)),
                  pl.BlockSpec((1, O), lambda i: (0, 0))],
        out_specs=pl.BlockSpec((R, O), lambda i: (i, 0)),
        out_shape=jax.ShapeDtypeStruct((N, O), jnp.float32),
    )(x, sums, cnts, lin_W, lin_b.reshape(1, H), W1, b1.reshape(1, H),
      W2, b2.reshape(1, O))



def kernel(x, edge_index, batch, lin_W0, lin_b0, agg_W0, agg_b0,
           lin_W1, lin_b1, agg_W1, agg_b1, mp_W1, mp_b1, mp_W2, mp_b2):
    N, D = x.shape
    E = edge_index.shape[1]
    R = 2000

    E_pad = -(-E // (NW * CH)) * (NW * CH)
    K = E_pad // (NW * CH)
    Np = -(-(N + 1) // (NS * 8)) * (NS * 8)

    src = edge_index[0]
    dst = edge_index[1]
    if E_pad != E:
        pad = E_pad - E
        src = jnp.concatenate([src, jnp.zeros((pad,), jnp.int32)])
        dst = jnp.concatenate([dst, jnp.full((pad,), N, jnp.int32)])
    src_r = src.reshape(NW, K, CH)
    dst_r = dst.reshape(NW, K, CH)

    sc_sum = _build_sc_sum(Np, K, D)
    sc_cnt = _build_sc_cnt(Np, K, D)

    (cnts,) = sc_cnt(dst_r)
    out0 = _mm_relu(x, agg_W0, agg_b0, R)
    (sums0,) = sc_sum(src_r, dst_r, out0)
    h1, out1 = _upd_agg(x, sums0, cnts, lin_W0, lin_b0, agg_W1, agg_b1, R)
    (sums1,) = sc_sum(src_r, dst_r, out1)
    return _upd_final(h1, sums1, cnts, lin_W1, lin_b1,
                      mp_W1, mp_b1, mp_W2, mp_b2, R)

# --- scband reference (transcript-rebuilt; emitter-appended) ---
"""Pipeline reference for scband-gnnstack-79800492360110 (READ-ONLY COPY).

The authoritative reference and input builder live on the scoring server;
editing this copy changes nothing except your own understanding.
"""

import jax, jax.numpy as jnp
import numpy as np

N = 10000
E = 320000
D = 128
H = 128
O = 128


def setup_inputs(seed: int = 0):
    key = jax.random.key(seed)
    ks = jax.random.split(key, 16)
    s = 0.1
    inp = {}
    inp['x'] = jax.random.normal(ks[0], (N, D), dtype=jnp.float32)
    inp['edge_index'] = jax.random.randint(ks[1], (2, E), 0, N, dtype=jnp.int32)
    inp['batch'] = jnp.zeros((N,), dtype=jnp.int32)
    inp['lin_W0'] = jax.random.normal(ks[2], (H, D), dtype=jnp.float32) * s
    inp['lin_b0'] = jnp.zeros((H,), dtype=jnp.float32)
    inp['agg_W0'] = jax.random.normal(ks[3], (H, D), dtype=jnp.float32) * s
    inp['agg_b0'] = jnp.zeros((H,), dtype=jnp.float32)
    inp['lin_W1'] = jax.random.normal(ks[4], (H, H), dtype=jnp.float32) * s
    inp['lin_b1'] = jnp.zeros((H,), dtype=jnp.float32)
    inp['agg_W1'] = jax.random.normal(ks[5], (H, H), dtype=jnp.float32) * s
    inp['agg_b1'] = jnp.zeros((H,), dtype=jnp.float32)
    inp['mp_W1'] = jax.random.normal(ks[6], (H, H), dtype=jnp.float32) * s
    inp['mp_b1'] = jnp.zeros((H,), dtype=jnp.float32)
    inp['mp_W2'] = jax.random.normal(ks[7], (O, H), dtype=jnp.float32) * s
    inp['mp_b2'] = jnp.zeros((O,), dtype=jnp.float32)
    return inp


def _l2_normalize(v):
    n = jnp.linalg.norm(v, axis=-1, keepdims=True)
    return v / jnp.maximum(n, 1e-12)


def _sage(x, src, dst, lin_W, lin_b, agg_W, agg_b, n):
    # GraphSage: out = relu(agg_lin(x)); mean-aggregate out[src] at dst;
    # update: relu(lin(x) + aggr); L2 normalize
    out = jax.nn.relu(x @ agg_W.T + agg_b)
    msgs = out[src]
    summed = jax.ops.segment_sum(msgs, dst, num_segments=n)
    cnt = jax.ops.segment_sum(jnp.ones((src.shape[0],), dtype=x.dtype), dst, num_segments=n)
    mean = summed / jnp.maximum(cnt, 1.0)[:, None]
    h = jax.nn.relu(x @ lin_W.T + lin_b + mean)
    return _l2_normalize(h)


def reference(x, edge_index, batch, lin_W0, lin_b0, agg_W0, agg_b0, lin_W1, lin_b1, agg_W1, agg_b1, mp_W1, mp_b1, mp_W2, mp_b2):
    src = edge_index[0]
    dst = edge_index[1]
    n = x.shape[0]
    h = jax.nn.relu(_sage(x, src, dst, lin_W0, lin_b0, agg_W0, agg_b0, n))
    h = jax.nn.relu(_sage(h, src, dst, lin_W1, lin_b1, agg_W1, agg_b1, n))
    # dropout p=0.0 -> identity; task == node -> no pooling
    h = h @ mp_W1.T + mp_b1
    h = h @ mp_W2.T + mp_b2
    return jax.nn.log_softmax(h, axis=1)

if __name__ == "__main__":
    import jax
    _d = setup_inputs()
    print(jax.jit(kernel)(*tuple(_d.values())))

</pallas_src>

<mosaic_0001>
#map = affine_map<(d0, d1) -> (0, 0, 0)>
module attributes {stable_mosaic.version = 14 : i64} {
  func.func @body(%arg0: i32, %arg1: i32, %arg2: memref<32x79x128xi32, #tpu.memory_space<hbm>>, %arg3: memref<2x10112x128xf32, #tpu.memory_space<hbm>>, %arg4: memref<79x128xi32, #tpu.memory_space<vmem>>, %arg5: memref<128x128xf32, #tpu.memory_space<vmem>>, %arg6: memref<128x128xf32, #tpu.memory_space<vmem>>, %arg7: memref<10112x128xf32, #tpu.memory_space<vmem_shared>>) attributes {dimension_semantics = [#tpu.dimension_semantics<core_parallel>, #tpu.dimension_semantics<subcore_parallel>], iteration_bounds = array<i64: 2, 16>, scalar_prefetch = 0 : i64, scratch_operands = 4 : i64, tpu.core_type = #tpu.core_type<sc_vector_subcore>, window_params = [{transform_indices = #map}, {transform_indices = #map}]} {
    %mul3A = arith.constant 16 : i32
    %mul3A_0 = arith.muli %arg0, %mul3A : i32
    %add3A = arith.addi %mul3A_0, %arg1 : i32
    %mul3A_1 = arith.constant 632 : i32
    %mul3A_2 = arith.muli %arg1, %mul3A_1 : i32
    %broadcast_in_dim3A = arith.constant 0.000000e+00 : f32
    %broadcast_in_dim3A_3 = vector.broadcast %broadcast_in_dim3A : f32 to vector<16xf32>
    %scan3A = arith.constant 0 : i32
    %scan3A_4 = arith.constant 0 : i32
    %scan3A_5 = arith.constant 1024 : i32
    %scan3A_6 = arith.addi %scan3A_4, %scan3A_5 : i32
    %scan3A_7 = arith.constant 1 : i32
    %scan3A_8 = scf.for %scan3A_37 = %scan3A_4 to %scan3A_6 step %scan3A_7 iter_args(%scan3A_38 = %scan3A) -> (i32)  : i32 {
      %jit3A = arith.constant 8 : i32
      %div3A = arith.divsi %scan3A_37, %jit3A : i32
      %sign3A = arith.constant 0 : i32
      %sign3A_39 = arith.cmpi sgt, %scan3A_37, %sign3A : i32
      %sign3A_40 = arith.extui %sign3A_39 : i1 to i32
      %sign3A_41 = arith.constant 0 : i32
      %sign3A_42 = arith.cmpi slt, %scan3A_37, %sign3A_41 : i32
      %sign3A_43 = arith.extui %sign3A_42 : i1 to i32
      %sign3A_44 = arith.subi %sign3A_40, %sign3A_43 : i32
      %sign3A_45 = arith.constant 0 : i32
      %sign3A_46 = arith.cmpi sgt, %jit3A, %sign3A_45 : i32
      %sign3A_47 = arith.extui %sign3A_46 : i1 to i32
      %sign3A_48 = arith.constant 0 : i32
      %sign3A_49 = arith.cmpi slt, %jit3A, %sign3A_48 : i32
      %sign3A_50 = arith.extui %sign3A_49 : i1 to i32
      %sign3A_51 = arith.subi %sign3A_47, %sign3A_50 : i32
      %ne3A = arith.cmpi ne, %sign3A_44, %sign3A_51 : i32
      %rem3A = arith.remsi %scan3A_37, %jit3A : i32
      %ne3A_52 = arith.constant 0 : i32
      %ne3A_53 = arith.cmpi ne, %rem3A, %ne3A_52 : i32
      %and3A = arith.andi %ne3A, %ne3A_53 : i1
      %sub3A = arith.constant 1 : i32
      %sub3A_54 = arith.subi %div3A, %sub3A : i32
      %select_n3A = arith.select %and3A, %sub3A_54, %div3A : i32
      %jit3A_55 = arith.constant 8 : i32
      %eq3A = arith.constant 0 : i32
      %eq3A_56 = arith.cmpi eq, %jit3A_55, %eq3A : i32
      %jit3A_57 = arith.constant 1 : i32
      %select_n3A_58 = arith.select %eq3A_56, %jit3A_57, %jit3A_55 : i32
      %rem3A_59 = arith.remsi %scan3A_37, %select_n3A_58 : i32
      %ne3A_60 = arith.constant 0 : i32
      %ne3A_61 = arith.cmpi ne, %rem3A_59, %ne3A_60 : i32
      %lt3A = arith.constant 0 : i32
      %lt3A_62 = arith.cmpi slt, %rem3A_59, %lt3A : i32
      %lt3A_63 = arith.constant 0 : i32
      %lt3A_64 = arith.cmpi slt, %select_n3A_58, %lt3A_63 : i32
      %ne3A_65 = arith.xori %lt3A_62, %lt3A_64 : i1
      %and3A_66 = arith.andi %ne3A_65, %ne3A_61 : i1
      %add3A_67 = arith.addi %rem3A_59, %select_n3A_58 : i32
      %select_n3A_68 = arith.select %and3A_66, %add3A_67, %rem3A_59 : i32
      %mul3A_69 = arith.constant 16 : i32
      %mul3A_70 = arith.muli %select_n3A_68, %mul3A_69 : i32
      %swap3A = arith.index_cast %select_n3A : i32 to index
      %swap3A_71 = arith.index_cast %mul3A_70 : i32 to index
      %swap3A_72 = tpu.vector_load %arg6[%swap3A, %swap3A_71] {strides = array<i32>} : memref<128x128xf32, #tpu.memory_space<vmem>>, vector<1x16xf32>,
      %swap3A_73 = vector.shape_cast %swap3A_72 : vector<1x16xf32> to vector<16xf32>
      %swap3A_74 = vector.shape_cast %broadcast_in_dim3A_3 : vector<16xf32> to vector<1x16xf32>
      tpu.vector_store %arg6[%swap3A, %swap3A_71], %swap3A_74 {strides = array<i32>} : memref<128x128xf32, #tpu.memory_space<vmem>>, vector<1x16xf32>,
      %scan3A_75 = arith.constant 0 : i32
      scf.yield %scan3A_75 : i32
    }
    %scan3A_9 = arith.constant 1024 : i32
    %broadcast_in_dim3A_10 = arith.constant 1.000000e+00 : f32
    %broadcast_in_dim3A_11 = vector.broadcast %broadcast_in_dim3A_10 : f32 to vector<16xf32>
    %scan3A_12 = arith.constant 0 : i32
    %scan3A_13 = arith.constant 0 : i32
    %scan3A_14 = arith.constant 1024 : i32
    %scan3A_15 = arith.addi %scan3A_13, %scan3A_14 : i32
    %scan3A_16 = arith.constant 1 : i32
    %scan3A_17 = scf.for %scan3A_37 = %scan3A_13 to %scan3A_15 step %scan3A_16 iter_args(%scan3A_38 = %scan3A_12) -> (i32)  : i32 {
      %jit3A = arith.constant 8 : i32
      %div3A = arith.divsi %scan3A_37, %jit3A : i32
      %sign3A = arith.constant 0 : i32
      %sign3A_39 = arith.cmpi sgt, %scan3A_37, %sign3A : i32
      %sign3A_40 = arith.extui %sign3A_39 : i1 to i32
      %sign3A_41 = arith.constant 0 : i32
      %sign3A_42 = arith.cmpi slt, %scan3A_37, %sign3A_41 : i32
      %sign3A_43 = arith.extui %sign3A_42 : i1 to i32
      %sign3A_44 = arith.subi %sign3A_40, %sign3A_43 : i32
      %sign3A_45 = arith.constant 0 : i32
      %sign3A_46 = arith.cmpi sgt, %jit3A, %sign3A_45 : i32
      %sign3A_47 = arith.extui %sign3A_46 : i1 to i32
      %sign3A_48 = arith.constant 0 : i32
      %sign3A_49 = arith.cmpi slt, %jit3A, %sign3A_48 : i32
      %sign3A_50 = arith.extui %sign3A_49 : i1 to i32
      %sign3A_51 = arith.subi %sign3A_47, %sign3A_50 : i32
      %ne3A = arith.cmpi ne, %sign3A_44, %sign3A_51 : i32
      %rem3A = arith.remsi %scan3A_37, %jit3A : i32
      %ne3A_52 = arith.constant 0 : i32
      %ne3A_53 = arith.cmpi ne, %rem3A, %ne3A_52 : i32
      %and3A = arith.andi %ne3A, %ne3A_53 : i1
      %sub3A = arith.constant 1 : i32
      %sub3A_54 = arith.subi %div3A, %sub3A : i32
      %select_n3A = arith.select %and3A, %sub3A_54, %div3A : i32
      %jit3A_55 = arith.constant 8 : i32
      %eq3A = arith.constant 0 : i32
      %eq3A_56 = arith.cmpi eq, %jit3A_55, %eq3A : i32
      %jit3A_57 = arith.constant 1 : i32
      %select_n3A_58 = arith.select %eq3A_56, %jit3A_57, %jit3A_55 : i32
      %rem3A_59 = arith.remsi %scan3A_37, %select_n3A_58 : i32
      %ne3A_60 = arith.constant 0 : i32
      %ne3A_61 = arith.cmpi ne, %rem3A_59, %ne3A_60 : i32
      %lt3A = arith.constant 0 : i32
      %lt3A_62 = arith.cmpi slt, %rem3A_59, %lt3A : i32
      %lt3A_63 = arith.constant 0 : i32
      %lt3A_64 = arith.cmpi slt, %select_n3A_58, %lt3A_63 : i32
      %ne3A_65 = arith.xori %lt3A_62, %lt3A_64 : i1
      %and3A_66 = arith.andi %ne3A_65, %ne3A_61 : i1
      %add3A_67 = arith.addi %rem3A_59, %select_n3A_58 : i32
      %select_n3A_68 = arith.select %and3A_66, %add3A_67, %rem3A_59 : i32
      %mul3A_69 = arith.constant 16 : i32
      %mul3A_70 = arith.muli %select_n3A_68, %mul3A_69 : i32
      %swap3A = arith.index_cast %select_n3A : i32 to index
      %swap3A_71 = arith.index_cast %mul3A_70 : i32 to index
      %swap3A_72 = tpu.vector_load %arg5[%swap3A, %swap3A_71] {strides = array<i32>} : memref<128x128xf32, #tpu.memory_space<vmem>>, vector<1x16xf32>,
      %swap3A_73 = vector.shape_cast %swap3A_72 : vector<1x16xf32> to vector<16xf32>
      %swap3A_74 = vector.shape_cast %broadcast_in_dim3A_11 : vector<16xf32> to vector<1x16xf32>
      tpu.vector_store %arg5[%swap3A, %swap3A_71], %swap3A_74 {strides = array<i32>} : memref<128x128xf32, #tpu.memory_space<vmem>>, vector<1x16xf32>,
      %scan3A_75 = arith.constant 0 : i32
      scf.yield %scan3A_75 : i32
    }
    %scan3A_18 = arith.constant 1024 : i32
    %add3A_19 = arith.constant 0 : i32
    %add3A_20 = arith.addi %mul3A_2, %add3A_19 : i32
    "tpu.region"() ({
      %run_scoped3A = tpu.sem_alloc : memref<!tpu.dma_semaphore, #tpu.memory_space<semaphore_mem>>
      %dma_start3A = arith.constant 0 : i32
      %dma_start3A_37 = tpu.memref_slice %arg7[%add3A_20, %dma_start3A] : memref<10112x128xf32, #tpu.memory_space<vmem_shared>> -> memref<128x128xf32, #tpu.memory_space<vmem_shared>>
      %dma_start3A_38 = arith.constant 0 : i32
      %dma_start3A_39 = tpu.memref_slice %arg7[%add3A_20, %dma_start3A_38] : memref<10112x128xf32, #tpu.memory_space<vmem_shared>> -> memref<128x128xf32, #tpu.memory_space<vmem_shared>>
      tpu.enqueue_dma source(%arg6 : memref<128x128xf32, #tpu.memory_space<vmem>>) target(%dma_start3A_39 : memref<128x128xf32, #tpu.memory_space<vmem_shared>>) target_semaphore(%run_scoped3A : memref<!tpu.dma_semaphore, #tpu.memory_space<semaphore_mem>>)
      %dma_wait3A = arith.constant 0 : i32
      %dma_wait3A_40 = tpu.memref_slice %arg7[%add3A_20, %dma_wait3A] : memref<10112x128xf32, #tpu.memory_space<vmem_shared>> -> memref<128x128xf32, #tpu.memory_space<vmem_shared>>
      %dma_wait3A_41 = arith.constant 0 : i32
      %dma_wait3A_42 = tpu.memref_slice %arg7[%add3A_20, %dma_wait3A_41] : memref<10112x128xf32, #tpu.memory_space<vmem_shared>> -> memref<128x128xf32, #tpu.memory_space<vmem_shared>>
      tpu.wait_dma2 semaphore(%run_scoped3A : memref<!tpu.dma_semaphore, #tpu.memory_space<semaphore_mem>>) src(%arg6 : memref<128x128xf32, #tpu.memory_space<vmem>>) dst(%dma_wait3A_42 : memref<128x128xf32, #tpu.memory_space<vmem_shared>>)
      tpu.yield
    }) : () -> ()
    %add3A_21 = arith.constant 128 : i32
    %add3A_22 = arith.addi %mul3A_2, %add3A_21 : i32
    "tpu.region"() ({
      %run_scoped3A = tpu.sem_alloc : memref<!tpu.dma_semaphore, #tpu.memory_space<semaphore_mem>>
      %dma_start3A = arith.constant 0 : i32
      %dma_start3A_37 = tpu.memref_slice %arg7[%add3A_22, %dma_start3A] : memref<10112x128xf32, #tpu.memory_space<vmem_shared>> -> memref<128x128xf32, #tpu.memory_space<vmem_shared>>
      %dma_start3A_38 = arith.constant 0 : i32
      %dma_start3A_39 = tpu.memref_slice %arg7[%add3A_22, %dma_start3A_38] : memref<10112x128xf32, #tpu.memory_space<vmem_shared>> -> memref<128x128xf32, #tpu.memory_space<vmem_shared>>
      tpu.enqueue_dma source(%arg6 : memref<128x128xf32, #tpu.memory_space<vmem>>) target(%dma_start3A_39 : memref<128x128xf32, #tpu.memory_space<vmem_shared>>) target_semaphore(%run_scoped3A : memref<!tpu.dma_semaphore, #tpu.memory_space<semaphore_mem>>)
      %dma_wait3A = arith.constant 0 : i32
      %dma_wait3A_40 = tpu.memref_slice %arg7[%add3A_22, %dma_wait3A] : memref<10112x128xf32, #tpu.memory_space<vmem_shared>> -> memref<128x128xf32, #tpu.memory_space<vmem_shared>>
      %dma_wait3A_41 = arith.constant 0 : i32
      %dma_wait3A_42 = tpu.memref_slice %arg7[%add3A_22, %dma_wait3A_41] : memref<10112x128xf32, #tpu.memory_space<vmem_shared>> -> memref<128x128xf32, #tpu.memory_space<vmem_shared>>
      tpu.wait_dma2 semaphore(%run_scoped3A : memref<!tpu.dma_semaphore, #tpu.memory_space<semaphore_mem>>) src(%arg6 : memref<128x128xf32, #tpu.memory_space<vmem>>) dst(%dma_wait3A_42 : memref<128x128xf32, #tpu.memory_space<vmem_shared>>)
      tpu.yield
    }) : () -> ()
    %add3A_23 = arith.constant 256 : i32
    %add3A_24 = arith.addi %mul3A_2, %add3A_23 : i32
    "tpu.region"() ({
      %run_scoped3A = tpu.sem_alloc : memref<!tpu.dma_semaphore, #tpu.memory_space<semaphore_mem>>
      %dma_start3A = arith.constant 0 : i32
      %dma_start3A_37 = tpu.memref_slice %arg7[%add3A_24, %dma_start3A] : memref<10112x128xf32, #tpu.memory_space<vmem_shared>> -> memref<128x128xf32, #tpu.memory_space<vmem_shared>>
      %dma_start3A_38 = arith.constant 0 : i32
      %dma_start3A_39 = tpu.memref_slice %arg7[%add3A_24, %dma_start3A_38] : memref<10112x128xf32, #tpu.memory_space<vmem_shared>> -> memref<128x128xf32, #tpu.memory_space<vmem_shared>>
      tpu.enqueue_dma source(%arg6 : memref<128x128xf32, #tpu.memory_space<vmem>>) target(%dma_start3A_39 : memref<128x128xf32, #tpu.memory_space<vmem_shared>>) target_semaphore(%run_scoped3A : memref<!tpu.dma_semaphore, #tpu.memory_space<semaphore_mem>>)
      %dma_wait3A = arith.constant 0 : i32
      %dma_wait3A_40 = tpu.memref_slice %arg7[%add3A_24, %dma_wait3A] : memref<10112x128xf32, #tpu.memory_space<vmem_shared>> -> memref<128x128xf32, #tpu.memory_space<vmem_shared>>
      %dma_wait3A_41 = arith.constant 0 : i32
      %dma_wait3A_42 = tpu.memref_slice %arg7[%add3A_24, %dma_wait3A_41] : memref<10112x128xf32, #tpu.memory_space<vmem_shared>> -> memref<128x128xf32, #tpu.memory_space<vmem_shared>>
      tpu.wait_dma2 semaphore(%run_scoped3A : memref<!tpu.dma_semaphore, #tpu.memory_space<semaphore_mem>>) src(%arg6 : memref<128x128xf32, #tpu.memory_space<vmem>>) dst(%dma_wait3A_42 : memref<128x128xf32, #tpu.memory_space<vmem_shared>>)
      tpu.yield
    }) : () -> ()
    %add3A_25 = arith.constant 384 : i32
    %add3A_26 = arith.addi %mul3A_2, %add3A_25 : i32
    "tpu.region"() ({
      %run_scoped3A = tpu.sem_alloc : memref<!tpu.dma_semaphore, #tpu.memory_space<semaphore_mem>>
      %dma_start3A = arith.constant 0 : i32
      %dma_start3A_37 = tpu.memref_slice %arg7[%add3A_26, %dma_start3A] : memref<10112x128xf32, #tpu.memory_space<vmem_shared>> -> memref<128x128xf32, #tpu.memory_space<vmem_shared>>
      %dma_start3A_38 = arith.constant 0 : i32
      %dma_start3A_39 = tpu.memref_slice %arg7[%add3A_26, %dma_start3A_38] : memref<10112x128xf32, #tpu.memory_space<vmem_shared>> -> memref<128x128xf32, #tpu.memory_space<vmem_shared>>
      tpu.enqueue_dma source(%arg6 : memref<128x128xf32, #tpu.memory_space<vmem>>) target(%dma_start3A_39 : memref<128x128xf32, #tpu.memory_space<vmem_shared>>) target_semaphore(%run_scoped3A : memref<!tpu.dma_semaphore, #tpu.memory_space<semaphore_mem>>)
      %dma_wait3A = arith.constant 0 : i32
      %dma_wait3A_40 = tpu.memref_slice %arg7[%add3A_26, %dma_wait3A] : memref<10112x128xf32, #tpu.memory_space<vmem_shared>> -> memref<128x128xf32, #tpu.memory_space<vmem_shared>>
      %dma_wait3A_41 = arith.constant 0 : i32
      %dma_wait3A_42 = tpu.memref_slice %arg7[%add3A_26, %dma_wait3A_41] : memref<10112x128xf32, #tpu.memory_space<vmem_shared>> -> memref<128x128xf32, #tpu.memory_space<vmem_shared>>
      tpu.wait_dma2 semaphore(%run_scoped3A : memref<!tpu.dma_semaphore, #tpu.memory_space<semaphore_mem>>) src(%arg6 : memref<128x128xf32, #tpu.memory_space<vmem>>) dst(%dma_wait3A_42 : memref<128x128xf32, #tpu.memory_space<vmem_shared>>)
      tpu.yield
    }) : () -> ()
    %add3A_27 = arith.constant 512 : i32
    %add3A_28 = arith.addi %mul3A_2, %add3A_27 : i32
    "tpu.region"() ({
      %run_scoped3A = tpu.sem_alloc : memref<!tpu.dma_semaphore, #tpu.memory_space<semaphore_mem>>
      %dma_start3A = arith.constant 0 : i32
      %dma_start3A_37 = arith.constant 0 : i32
      %dma_start3A_38 = tpu.memref_slice %arg6[%dma_start3A, %dma_start3A_37] : memref<128x128xf32, #tpu.memory_space<vmem>> -> memref<120x128xf32, #tpu.memory_space<vmem>>
      %dma_start3A_39 = arith.constant 0 : i32
      %dma_start3A_40 = tpu.memref_slice %arg7[%add3A_28, %dma_start3A_39] : memref<10112x128xf32, #tpu.memory_space<vmem_shared>> -> memref<120x128xf32, #tpu.memory_space<vmem_shared>>
      %dma_start3A_41 = arith.constant 0 : i32
      %dma_start3A_42 = tpu.memref_slice %arg7[%add3A_28, %dma_start3A_41] : memref<10112x128xf32, #tpu.memory_space<vmem_shared>> -> memref<120x128xf32, #tpu.memory_space<vmem_shared>>
      %dma_start3A_43 = arith.constant 0 : i32
      %dma_start3A_44 = arith.constant 0 : i32
      %dma_start3A_45 = tpu.memref_slice %arg6[%dma_start3A_43, %dma_start3A_44] : memref<128x128xf32, #tpu.memory_space<vmem>> -> memref<120x128xf32, #tpu.memory_space<vmem>>
      tpu.enqueue_dma source(%dma_start3A_45 : memref<120x128xf32, #tpu.memory_space<vmem>>) target(%dma_start3A_42 : memref<120x128xf32, #tpu.memory_space<vmem_shared>>) target_semaphore(%run_scoped3A : memref<!tpu.dma_semaphore, #tpu.memory_space<semaphore_mem>>)
      %dma_wait3A = arith.constant 0 : i32
      %dma_wait3A_46 = arith.constant 0 : i32
      %dma_wait3A_47 = tpu.memref_slice %arg6[%dma_wait3A, %dma_wait3A_46] : memref<128x128xf32, #tpu.memory_space<vmem>> -> memref<120x128xf32, #tpu.memory_space<vmem>>
      %dma_wait3A_48 = arith.constant 0 : i32
      %dma_wait3A_49 = tpu.memref_slice %arg7[%add3A_28, %dma_wait3A_48] : memref<10112x128xf32, #tpu.memory_space<vmem_shared>> -> memref<120x128xf32, #tpu.memory_space<vmem_shared>>
      %dma_wait3A_50 = arith.constant 0 : i32
      %dma_wait3A_51 = tpu.memref_slice %arg7[%add3A_28, %dma_wait3A_50] : memref<10112x128xf32, #tpu.memory_space<vmem_shared>> -> memref<120x128xf32, #tpu.memory_space<vmem_shared>>
      %dma_wait3A_52 = arith.constant 0 : i32
      %dma_wait3A_53 = arith.constant 0 : i32
      %dma_wait3A_54 = tpu.memref_slice %arg6[%dma_wait3A_52, %dma_wait3A_53] : memref<128x128xf32, #tpu.memory_space<vmem>> -> memref<120x128xf32, #tpu.memory_space<vmem>>
      tpu.wait_dma2 semaphore(%run_scoped3A : memref<!tpu.dma_semaphore, #tpu.memory_space<semaphore_mem>>) src(%dma_wait3A_54 : memref<120x128xf32, #tpu.memory_space<vmem>>) dst(%dma_wait3A_51 : memref<120x128xf32, #tpu.memory_space<vmem_shared>>)
      tpu.yield
    }) : () -> ()
    "tpu.region"() ({
      %run_scoped3A = tpu.sem_alloc : memref<!tpu.dma_semaphore, #tpu.memory_space<semaphore_mem>>
      %dma_start3A = arith.constant 0 : i32
      %dma_start3A_37 = arith.constant 0 : i32
      %dma_start3A_38 = tpu.memref_slice %arg2[%add3A, %dma_start3A, %dma_start3A_37] : memref<32x79x128xi32, #tpu.memory_space<hbm>> -> memref<1x79x128xi32, #tpu.memory_space<hbm>>
      %dma_start3A_39 = tpu.memref_squeeze %dma_start3A_38 : memref<1x79x128xi32, #tpu.memory_space<hbm>> -> memref<79x128xi32, #tpu.memory_space<hbm>>
      %dma_start3A_40 = arith.constant 0 : i32
      %dma_start3A_41 = arith.constant 0 : i32
      %dma_start3A_42 = tpu.memref_slice %arg2[%add3A, %dma_start3A_40, %dma_start3A_41] : memref<32x79x128xi32, #tpu.memory_space<hbm>> -> memref<1x79x128xi32, #tpu.memory_space<hbm>>
      %dma_start3A_43 = tpu.memref_squeeze %dma_start3A_42 : memref<1x79x128xi32, #tpu.memory_space<hbm>> -> memref<79x128xi32, #tpu.memory_space<hbm>>
      tpu.enqueue_dma source(%dma_start3A_43 : memref<79x128xi32, #tpu.memory_space<hbm>>) target(%arg4 : memref<79x128xi32, #tpu.memory_space<vmem>>) target_semaphore(%run_scoped3A : memref<!tpu.dma_semaphore, #tpu.memory_space<semaphore_mem>>)
      %dma_wait3A = arith.constant 0 : i32
      %dma_wait3A_44 = arith.constant 0 : i32
      %dma_wait3A_45 = tpu.memref_slice %arg2[%add3A, %dma_wait3A, %dma_wait3A_44] : memref<32x79x128xi32, #tpu.memory_space<hbm>> -> memref<1x79x128xi32, #tpu.memory_space<hbm>>
      %dma_wait3A_46 = tpu.memref_squeeze %dma_wait3A_45 : memref<1x79x128xi32, #tpu.memory_space<hbm>> -> memref<79x128xi32, #tpu.memory_space<hbm>>
      %dma_wait3A_47 = arith.constant 0 : i32
      %dma_wait3A_48 = arith.constant 0 : i32
      %dma_wait3A_49 = tpu.memref_slice %arg2[%add3A, %dma_wait3A_47, %dma_wait3A_48] : memref<32x79x128xi32, #tpu.memory_space<hbm>> -> memref<1x79x128xi32, #tpu.memory_space<hbm>>
      %dma_wait3A_50 = tpu.memref_squeeze %dma_wait3A_49 : memref<1x79x128xi32, #tpu.memory_space<hbm>> -> memref<79x128xi32, #tpu.memory_space<hbm>>
      tpu.wait_dma2 semaphore(%run_scoped3A : memref<!tpu.dma_semaphore, #tpu.memory_space<semaphore_mem>>) src(%dma_wait3A_50 : memref<79x128xi32, #tpu.memory_space<hbm>>) dst(%arg4 : memref<79x128xi32, #tpu.memory_space<vmem>>)
      tpu.yield
    }) : () -> ()
    %barrier3A = arith.constant 0 : index
    tpu.barrier barrier_id(%barrier3A)
    %scan3A_29 = arith.constant 0 : i32
    %scan3A_30 = arith.constant 0 : i32
    %scan3A_31 = arith.constant 79 : i32
    %scan3A_32 = arith.addi %scan3A_30, %scan3A_31 : i32
    %scan3A_33 = arith.constant 1 : i32
    %scan3A_34 = scf.for %scan3A_37 = %scan3A_30 to %scan3A_32 step %scan3A_33 iter_args(%scan3A_38 = %scan3A_29) -> (i32)  : i32 {
      "tpu.region"() ({
        %run_scoped3A = tpu.sem_alloc : memref<!tpu.dma_semaphore, #tpu.memory_space<semaphore_mem>>
        %dma_start3A = arith.constant 0 : i32
        %dma_start3A_40 = tpu.memref_slice %arg4[%scan3A_37, %dma_start3A] : memref<79x128xi32, #tpu.memory_space<vmem>> -> memref<1x128xi32, #tpu.memory_space<vmem>>
        %dma_start3A_41 = tpu.memref_squeeze %dma_start3A_40 : memref<1x128xi32, #tpu.memory_space<vmem>> -> memref<128xi32, #tpu.memory_space<vmem>>
        %dma_start3A_42 = arith.constant 0 : i32
        %dma_start3A_43 = arith.constant 0 : i32
        %dma_start3A_44 = tpu.memref_slice %arg7[%dma_start3A_42, %dma_start3A_43] : memref<10112x128xf32, #tpu.memory_space<vmem_shared>> -> memref<10112x128xf32, #tpu.memory_space<vmem_shared>>
        tpu.enqueue_indirect_dma source(%arg5 : memref<128x128xf32, #tpu.memory_space<vmem>>) target(%dma_start3A_44 : memref<10112x128xf32, #tpu.memory_space<vmem_shared>>) offsets(%dma_start3A_41 : memref<128xi32, #tpu.memory_space<vmem>>) semaphore(%run_scoped3A : memref<!tpu.dma_semaphore, #tpu.memory_space<semaphore_mem>>) {add = true}
        %dma_wait3A = arith.constant 0 : i32
        %dma_wait3A_45 = tpu.memref_slice %arg4[%scan3A_37, %dma_wait3A] : memref<79x128xi32, #tpu.memory_space<vmem>> -> memref<1x128xi32, #tpu.memory_space<vmem>>
        %dma_wait3A_46 = tpu.memref_squeeze %dma_wait3A_45 : memref<1x128xi32, #tpu.memory_space<vmem>> -> memref<128xi32, #tpu.memory_space<vmem>>
        %dma_wait3A_47 = arith.constant 0 : i32
        %dma_wait3A_48 = arith.constant 0 : i32
        %dma_wait3A_49 = tpu.memref_slice %arg7[%dma_wait3A_47, %dma_wait3A_48] : memref<10112x128xf32, #tpu.memory_space<vmem_shared>> -> memref<10112x128xf32, #tpu.memory_space<vmem_shared>>
        tpu.wait_indirect_dma semaphore(%run_scoped3A : memref<!tpu.dma_semaphore, #tpu.memory_space<semaphore_mem>>) src(%arg5 : memref<128x128xf32, #tpu.memory_space<vmem>>) dst(%dma_wait3A_49 : memref<10112x128xf32, #tpu.memory_space<vmem_shared>>)
        tpu.yield
      }) : () -> ()
      %scan3A_39 = arith.constant 0 : i32
      scf.yield %scan3A_39 : i32
    }
    %scan3A_35 = arith.constant 79 : i32
    %barrier3A_36 = arith.constant 0 : index
    tpu.barrier barrier_id(%barrier3A_36)
    "tpu.region"() ({
      %run_scoped3A = tpu.sem_alloc : memref<!tpu.dma_semaphore, #tpu.memory_space<semaphore_mem>>
      %dma_start3A = arith.constant 0 : i32
      %dma_start3A_37 = tpu.memref_slice %arg3[%arg0, %mul3A_2, %dma_start3A] : memref<2x10112x128xf32, #tpu.memory_space<hbm>> -> memref<1x632x128xf32, #tpu.memory_space<hbm>>
      %dma_start3A_38 = tpu.memref_squeeze %dma_start3A_37 : memref<1x632x128xf32, #tpu.memory_space<hbm>> -> memref<632x128xf32, #tpu.memory_space<hbm>>
      %dma_start3A_39 = arith.constant 0 : i32
      %dma_start3A_40 = tpu.memref_slice %arg7[%mul3A_2, %dma_start3A_39] : memref<10112x128xf32, #tpu.memory_space<vmem_shared>> -> memref<632x128xf32, #tpu.memory_space<vmem_shared>>
      tpu.enqueue_dma source(%dma_start3A_40 : memref<632x128xf32, #tpu.memory_space<vmem_shared>>) target(%dma_start3A_38 : memref<632x128xf32, #tpu.memory_space<hbm>>) target_semaphore(%run_scoped3A : memref<!tpu.dma_semaphore, #tpu.memory_space<semaphore_mem>>)
      %dma_wait3A = arith.constant 0 : i32
      %dma_wait3A_41 = tpu.memref_slice %arg3[%arg0, %mul3A_2, %dma_wait3A] : memref<2x10112x128xf32, #tpu.memory_space<hbm>> -> memref<1x632x128xf32, #tpu.memory_space<hbm>>
      %dma_wait3A_42 = tpu.memref_squeeze %dma_wait3A_41 : memref<1x632x128xf32, #tpu.memory_space<hbm>> -> memref<632x128xf32, #tpu.memory_space<hbm>>
      %dma_wait3A_43 = arith.constant 0 : i32
      %dma_wait3A_44 = tpu.memref_slice %arg7[%mul3A_2, %dma_wait3A_43] : memref<10112x128xf32, #tpu.memory_space<vmem_shared>> -> memref<632x128xf32, #tpu.memory_space<vmem_shared>>
      tpu.wait_dma2 semaphore(%run_scoped3A : memref<!tpu.dma_semaphore, #tpu.memory_space<semaphore_mem>>) src(%dma_wait3A_44 : memref<632x128xf32, #tpu.memory_space<vmem_shared>>) dst(%dma_wait3A_42 : memref<632x128xf32, #tpu.memory_space<hbm>>)
      tpu.yield
    }) : () -> ()
    return
  }
}

#map = affine_map<(d0, d1) -> (0, 0, 0)>
#map1 = affine_map<(d0, d1) -> (0, 0)>
module attributes {stable_mosaic.version = 14 : i64} {
  func.func @body(%arg0: i32, %arg1: i32, %arg2: memref<32x79x128xi32, #tpu.memory_space<hbm>>, %arg3: memref<32x79x128xi32, #tpu.memory_space<hbm>>, %arg4: memref<10000x128xf32, #tpu.memory_space<hbm>>, %arg5: memref<2x10112x128xf32, #tpu.memory_space<hbm>>, %arg6: memref<79x128xi32, #tpu.memory_space<vmem>>, %arg7: memref<79x128xi32, #tpu.memory_space<vmem>>, %arg8: memref<128x128xf32, #tpu.memory_space<vmem>>, %arg9: memref<10112x128xf32, #tpu.memory_space<vmem_shared>>) attributes {dimension_semantics = [#tpu.dimension_semantics<core_parallel>, #tpu.dimension_semantics<subcore_parallel>], iteration_bounds = array<i64: 2, 16>, scalar_prefetch = 0 : i64, scratch_operands = 4 : i64, tpu.core_type = #tpu.core_type<sc_vector_subcore>, window_params = [{transform_indices = #map}, {transform_indices = #map}, {transform_indices = #map1}, {transform_indices = #map}]} {
    %mul3A = arith.constant 16 : i32
    %mul3A_0 = arith.muli %arg0, %mul3A : i32
    %add3A = arith.addi %mul3A_0, %arg1 : i32
    %mul3A_1 = arith.constant 632 : i32
    %mul3A_2 = arith.muli %arg1, %mul3A_1 : i32
    %broadcast_in_dim3A = arith.constant 0.000000e+00 : f32
    %broadcast_in_dim3A_3 = vector.broadcast %broadcast_in_dim3A : f32 to vector<16xf32>
    %scan3A = arith.constant 0 : i32
    %scan3A_4 = arith.constant 0 : i32
    %scan3A_5 = arith.constant 1024 : i32
    %scan3A_6 = arith.addi %scan3A_4, %scan3A_5 : i32
    %scan3A_7 = arith.constant 1 : i32
    %scan3A_8 = scf.for %scan3A_28 = %scan3A_4 to %scan3A_6 step %scan3A_7 iter_args(%scan3A_29 = %scan3A) -> (i32)  : i32 {
      %jit3A = arith.constant 8 : i32
      %div3A = arith.divsi %scan3A_28, %jit3A : i32
      %sign3A = arith.constant 0 : i32
      %sign3A_30 = arith.cmpi sgt, %scan3A_28, %sign3A : i32
      %sign3A_31 = arith.extui %sign3A_30 : i1 to i32
      %sign3A_32 = arith.constant 0 : i32
      %sign3A_33 = arith.cmpi slt, %scan3A_28, %sign3A_32 : i32
      %sign3A_34 = arith.extui %sign3A_33 : i1 to i32
      %sign3A_35 = arith.subi %sign3A_31, %sign3A_34 : i32
      %sign3A_36 = arith.constant 0 : i32
      %sign3A_37 = arith.cmpi sgt, %jit3A, %sign3A_36 : i32
      %sign3A_38 = arith.extui %sign3A_37 : i1 to i32
      %sign3A_39 = arith.constant 0 : i32
      %sign3A_40 = arith.cmpi slt, %jit3A, %sign3A_39 : i32
      %sign3A_41 = arith.extui %sign3A_40 : i1 to i32
      %sign3A_42 = arith.subi %sign3A_38, %sign3A_41 : i32
      %ne3A = arith.cmpi ne, %sign3A_35, %sign3A_42 : i32
      %rem3A = arith.remsi %scan3A_28, %jit3A : i32
      %ne3A_43 = arith.constant 0 : i32
      %ne3A_44 = arith.cmpi ne, %rem3A, %ne3A_43 : i32
      %and3A = arith.andi %ne3A, %ne3A_44 : i1
      %sub3A = arith.constant 1 : i32
      %sub3A_45 = arith.subi %div3A, %sub3A : i32
      %select_n3A = arith.select %and3A, %sub3A_45, %div3A : i32
      %jit3A_46 = arith.constant 8 : i32
      %eq3A = arith.constant 0 : i32
      %eq3A_47 = arith.cmpi eq, %jit3A_46, %eq3A : i32
      %jit3A_48 = arith.constant 1 : i32
      %select_n3A_49 = arith.select %eq3A_47, %jit3A_48, %jit3A_46 : i32
      %rem3A_50 = arith.remsi %scan3A_28, %select_n3A_49 : i32
      %ne3A_51 = arith.constant 0 : i32
      %ne3A_52 = arith.cmpi ne, %rem3A_50, %ne3A_51 : i32
      %lt3A = arith.constant 0 : i32
      %lt3A_53 = arith.cmpi slt, %rem3A_50, %lt3A : i32
      %lt3A_54 = arith.constant 0 : i32
      %lt3A_55 = arith.cmpi slt, %select_n3A_49, %lt3A_54 : i32
      %ne3A_56 = arith.xori %lt3A_53, %lt3A_55 : i1
      %and3A_57 = arith.andi %ne3A_56, %ne3A_52 : i1
      %add3A_58 = arith.addi %rem3A_50, %select_n3A_49 : i32
      %select_n3A_59 = arith.select %and3A_57, %add3A_58, %rem3A_50 : i32
      %mul3A_60 = arith.constant 16 : i32
      %mul3A_61 = arith.muli %select_n3A_59, %mul3A_60 : i32
      %swap3A = arith.index_cast %select_n3A : i32 to index
      %swap3A_62 = arith.index_cast %mul3A_61 : i32 to index
      %swap3A_63 = tpu.vector_load %arg8[%swap3A, %swap3A_62] {strides = array<i32>} : memref<128x128xf32, #tpu.memory_space<vmem>>, vector<1x16xf32>,
      %swap3A_64 = vector.shape_cast %swap3A_63 : vector<1x16xf32> to vector<16xf32>
      %swap3A_65 = vector.shape_cast %broadcast_in_dim3A_3 : vector<16xf32> to vector<1x16xf32>
      tpu.vector_store %arg8[%swap3A, %swap3A_62], %swap3A_65 {strides = array<i32>} : memref<128x128xf32, #tpu.memory_space<vmem>>, vector<1x16xf32>,
      %scan3A_66 = arith.constant 0 : i32
      scf.yield %scan3A_66 : i32
    }
    %scan3A_9 = arith.constant 1024 : i32
    %add3A_10 = arith.constant 0 : i32
    %add3A_11 = arith.addi %mul3A_2, %add3A_10 : i32
    "tpu.region"() ({
      %run_scoped3A = tpu.sem_alloc : memref<!tpu.dma_semaphore, #tpu.memory_space<semaphore_mem>>
      %dma_start3A = arith.constant 0 : i32
      %dma_start3A_28 = tpu.memref_slice %arg9[%add3A_11, %dma_start3A] : memref<10112x128xf32, #tpu.memory_space<vmem_shared>> -> memref<128x128xf32, #tpu.memory_space<vmem_shared>>
      %dma_start3A_29 = arith.constant 0 : i32
      %dma_start3A_30 = tpu.memref_slice %arg9[%add3A_11, %dma_start3A_29] : memref<10112x128xf32, #tpu.memory_space<vmem_shared>> -> memref<128x128xf32, #tpu.memory_space<vmem_shared>>
      tpu.enqueue_dma source(%arg8 : memref<128x128xf32, #tpu.memory_space<vmem>>) target(%dma_start3A_30 : memref<128x128xf32, #tpu.memory_space<vmem_shared>>) target_semaphore(%run_scoped3A : memref<!tpu.dma_semaphore, #tpu.memory_space<semaphore_mem>>)
      %dma_wait3A = arith.constant 0 : i32
      %dma_wait3A_31 = tpu.memref_slice %arg9[%add3A_11, %dma_wait3A] : memref<10112x128xf32, #tpu.memory_space<vmem_shared>> -> memref<128x128xf32, #tpu.memory_space<vmem_shared>>
      %dma_wait3A_32 = arith.constant 0 : i32
      %dma_wait3A_33 = tpu.memref_slice %arg9[%add3A_11, %dma_wait3A_32] : memref<10112x128xf32, #tpu.memory_space<vmem_shared>> -> memref<128x128xf32, #tpu.memory_space<vmem_shared>>
      tpu.wait_dma2 semaphore(%run_scoped3A : memref<!tpu.dma_semaphore, #tpu.memory_space<semaphore_mem>>) src(%arg8 : memref<128x128xf32, #tpu.memory_space<vmem>>) dst(%dma_wait3A_33 : memref<128x128xf32, #tpu.memory_space<vmem_shared>>)
      tpu.yield
    }) : () -> ()
    %add3A_12 = arith.constant 128 : i32
    %add3A_13 = arith.addi %mul3A_2, %add3A_12 : i32
    "tpu.region"() ({
      %run_scoped3A = tpu.sem_alloc : memref<!tpu.dma_semaphore, #tpu.memory_space<semaphore_mem>>
      %dma_start3A = arith.constant 0 : i32
      %dma_start3A_28 = tpu.memref_slice %arg9[%add3A_13, %dma_start3A] : memref<10112x128xf32, #tpu.memory_space<vmem_shared>> -> memref<128x128xf32, #tpu.memory_space<vmem_shared>>
      %dma_start3A_29 = arith.constant 0 : i32
      %dma_start3A_30 = tpu.memref_slice %arg9[%add3A_13, %dma_start3A_29] : memref<10112x128xf32, #tpu.memory_space<vmem_shared>> -> memref<128x128xf32, #tpu.memory_space<vmem_shared>>
      tpu.enqueue_dma source(%arg8 : memref<128x128xf32, #tpu.memory_space<vmem>>) target(%dma_start3A_30 : memref<128x128xf32, #tpu.memory_space<vmem_shared>>) target_semaphore(%run_scoped3A : memref<!tpu.dma_semaphore, #tpu.memory_space<semaphore_mem>>)
      %dma_wait3A = arith.constant 0 : i32
      %dma_wait3A_31 = tpu.memref_slice %arg9[%add3A_13, %dma_wait3A] : memref<10112x128xf32, #tpu.memory_space<vmem_shared>> -> memref<128x128xf32, #tpu.memory_space<vmem_shared>>
      %dma_wait3A_32 = arith.constant 0 : i32
      %dma_wait3A_33 = tpu.memref_slice %arg9[%add3A_13, %dma_wait3A_32] : memref<10112x128xf32, #tpu.memory_space<vmem_shared>> -> memref<128x128xf32, #tpu.memory_space<vmem_shared>>
      tpu.wait_dma2 semaphore(%run_scoped3A : memref<!tpu.dma_semaphore, #tpu.memory_space<semaphore_mem>>) src(%arg8 : memref<128x128xf32, #tpu.memory_space<vmem>>) dst(%dma_wait3A_33 : memref<128x128xf32, #tpu.memory_space<vmem_shared>>)
      tpu.yield
    }) : () -> ()
    %add3A_14 = arith.constant 256 : i32
    %add3A_15 = arith.addi %mul3A_2, %add3A_14 : i32
    "tpu.region"() ({
      %run_scoped3A = tpu.sem_alloc : memref<!tpu.dma_semaphore, #tpu.memory_space<semaphore_mem>>
      %dma_start3A = arith.constant 0 : i32
      %dma_start3A_28 = tpu.memref_slice %arg9[%add3A_15, %dma_start3A] : memref<10112x128xf32, #tpu.memory_space<vmem_shared>> -> memref<128x128xf32, #tpu.memory_space<vmem_shared>>
      %dma_start3A_29 = arith.constant 0 : i32
      %dma_start3A_30 = tpu.memref_slice %arg9[%add3A_15, %dma_start3A_29] : memref<10112x128xf32, #tpu.memory_space<vmem_shared>> -> memref<128x128xf32, #tpu.memory_space<vmem_shared>>
      tpu.enqueue_dma source(%arg8 : memref<128x128xf32, #tpu.memory_space<vmem>>) target(%dma_start3A_30 : memref<128x128xf32, #tpu.memory_space<vmem_shared>>) target_semaphore(%run_scoped3A : memref<!tpu.dma_semaphore, #tpu.memory_space<semaphore_mem>>)
      %dma_wait3A = arith.constant 0 : i32
      %dma_wait3A_31 = tpu.memref_slice %arg9[%add3A_15, %dma_wait3A] : memref<10112x128xf32, #tpu.memory_space<vmem_shared>> -> memref<128x128xf32, #tpu.memory_space<vmem_shared>>
      %dma_wait3A_32 = arith.constant 0 : i32
      %dma_wait3A_33 = tpu.memref_slice %arg9[%add3A_15, %dma_wait3A_32] : memref<10112x128xf32, #tpu.memory_space<vmem_shared>> -> memref<128x128xf32, #tpu.memory_space<vmem_shared>>
      tpu.wait_dma2 semaphore(%run_scoped3A : memref<!tpu.dma_semaphore, #tpu.memory_space<semaphore_mem>>) src(%arg8 : memref<128x128xf32, #tpu.memory_space<vmem>>) dst(%dma_wait3A_33 : memref<128x128xf32, #tpu.memory_space<vmem_shared>>)
      tpu.yield
    }) : () -> ()
    %add3A_16 = arith.constant 384 : i32
    %add3A_17 = arith.addi %mul3A_2, %add3A_16 : i32
    "tpu.region"() ({
      %run_scoped3A = tpu.sem_alloc : memref<!tpu.dma_semaphore, #tpu.memory_space<semaphore_mem>>
      %dma_start3A = arith.constant 0 : i32
      %dma_start3A_28 = tpu.memref_slice %arg9[%add3A_17, %dma_start3A] : memref<10112x128xf32, #tpu.memory_space<vmem_shared>> -> memref<128x128xf32, #tpu.memory_space<vmem_shared>>
      %dma_start3A_29 = arith.constant 0 : i32
      %dma_start3A_30 = tpu.memref_slice %arg9[%add3A_17, %dma_start3A_29] : memref<10112x128xf32, #tpu.memory_space<vmem_shared>> -> memref<128x128xf32, #tpu.memory_space<vmem_shared>>
      tpu.enqueue_dma source(%arg8 : memref<128x128xf32, #tpu.memory_space<vmem>>) target(%dma_start3A_30 : memref<128x128xf32, #tpu.memory_space<vmem_shared>>) target_semaphore(%run_scoped3A : memref<!tpu.dma_semaphore, #tpu.memory_space<semaphore_mem>>)
      %dma_wait3A = arith.constant 0 : i32
      %dma_wait3A_31 = tpu.memref_slice %arg9[%add3A_17, %dma_wait3A] : memref<10112x128xf32, #tpu.memory_space<vmem_shared>> -> memref<128x128xf32, #tpu.memory_space<vmem_shared>>
      %dma_wait3A_32 = arith.constant 0 : i32
      %dma_wait3A_33 = tpu.memref_slice %arg9[%add3A_17, %dma_wait3A_32] : memref<10112x128xf32, #tpu.memory_space<vmem_shared>> -> memref<128x128xf32, #tpu.memory_space<vmem_shared>>
      tpu.wait_dma2 semaphore(%run_scoped3A : memref<!tpu.dma_semaphore, #tpu.memory_space<semaphore_mem>>) src(%arg8 : memref<128x128xf32, #tpu.memory_space<vmem>>) dst(%dma_wait3A_33 : memref<128x128xf32, #tpu.memory_space<vmem_shared>>)
      tpu.yield
    }) : () -> ()
    %add3A_18 = arith.constant 512 : i32
    %add3A_19 = arith.addi %mul3A_2, %add3A_18 : i32
    "tpu.region"() ({
      %run_scoped3A = tpu.sem_alloc : memref<!tpu.dma_semaphore, #tpu.memory_space<semaphore_mem>>
      %dma_start3A = arith.constant 0 : i32
      %dma_start3A_28 = arith.constant 0 : i32
      %dma_start3A_29 = tpu.memref_slice %arg8[%dma_start3A, %dma_start3A_28] : memref<128x128xf32, #tpu.memory_space<vmem>> -> memref<120x128xf32, #tpu.memory_space<vmem>>
      %dma_start3A_30 = arith.constant 0 : i32
      %dma_start3A_31 = tpu.memref_slice %arg9[%add3A_19, %dma_start3A_30] : memref<10112x128xf32, #tpu.memory_space<vmem_shared>> -> memref<120x128xf32, #tpu.memory_space<vmem_shared>>
      %dma_start3A_32 = arith.constant 0 : i32
      %dma_start3A_33 = tpu.memref_slice %arg9[%add3A_19, %dma_start3A_32] : memref<10112x128xf32, #tpu.memory_space<vmem_shared>> -> memref<120x128xf32, #tpu.memory_space<vmem_shared>>
      %dma_start3A_34 = arith.constant 0 : i32
      %dma_start3A_35 = arith.constant 0 : i32
      %dma_start3A_36 = tpu.memref_slice %arg8[%dma_start3A_34, %dma_start3A_35] : memref<128x128xf32, #tpu.memory_space<vmem>> -> memref<120x128xf32, #tpu.memory_space<vmem>>
      tpu.enqueue_dma source(%dma_start3A_36 : memref<120x128xf32, #tpu.memory_space<vmem>>) target(%dma_start3A_33 : memref<120x128xf32, #tpu.memory_space<vmem_shared>>) target_semaphore(%run_scoped3A : memref<!tpu.dma_semaphore, #tpu.memory_space<semaphore_mem>>)
      %dma_wait3A = arith.constant 0 : i32
      %dma_wait3A_37 = arith.constant 0 : i32
      %dma_wait3A_38 = tpu.memref_slice %arg8[%dma_wait3A, %dma_wait3A_37] : memref<128x128xf32, #tpu.memory_space<vmem>> -> memref<120x128xf32, #tpu.memory_space<vmem>>
      %dma_wait3A_39 = arith.constant 0 : i32
      %dma_wait3A_40 = tpu.memref_slice %arg9[%add3A_19, %dma_wait3A_39] : memref<10112x128xf32, #tpu.memory_space<vmem_shared>> -> memref<120x128xf32, #tpu.memory_space<vmem_shared>>
      %dma_wait3A_41 = arith.constant 0 : i32
      %dma_wait3A_42 = tpu.memref_slice %arg9[%add3A_19, %dma_wait3A_41] : memref<10112x128xf32, #tpu.memory_space<vmem_shared>> -> memref<120x128xf32, #tpu.memory_space<vmem_shared>>
      %dma_wait3A_43 = arith.constant 0 : i32
      %dma_wait3A_44 = arith.constant 0 : i32
      %dma_wait3A_45 = tpu.memref_slice %arg8[%dma_wait3A_43, %dma_wait3A_44] : memref<128x128xf32, #tpu.memory_space<vmem>> -> memref<120x128xf32, #tpu.memory_space<vmem>>
      tpu.wait_dma2 semaphore(%run_scoped3A : memref<!tpu.dma_semaphore, #tpu.memory_space<semaphore_mem>>) src(%dma_wait3A_45 : memref<120x128xf32, #tpu.memory_space<vmem>>) dst(%dma_wait3A_42 : memref<120x128xf32, #tpu.memory_space<vmem_shared>>)
      tpu.yield
    }) : () -> ()
    "tpu.region"() ({
      %run_scoped3A = tpu.sem_alloc : memref<!tpu.dma_semaphore, #tpu.memory_space<semaphore_mem>>
      %dma_start3A = arith.constant 0 : i32
      %dma_start3A_28 = arith.constant 0 : i32
      %dma_start3A_29 = tpu.memref_slice %arg2[%add3A, %dma_start3A, %dma_start3A_28] : memref<32x79x128xi32, #tpu.memory_space<hbm>> -> memref<1x79x128xi32, #tpu.memory_space<hbm>>
      %dma_start3A_30 = tpu.memref_squeeze %dma_start3A_29 : memref<1x79x128xi32, #tpu.memory_space<hbm>> -> memref<79x128xi32, #tpu.memory_space<hbm>>
      %dma_start3A_31 = arith.constant 0 : i32
      %dma_start3A_32 = arith.constant 0 : i32
      %dma_start3A_33 = tpu.memref_slice %arg2[%add3A, %dma_start3A_31, %dma_start3A_32] : memref<32x79x128xi32, #tpu.memory_space<hbm>> -> memref<1x79x128xi32, #tpu.memory_space<hbm>>
      %dma_start3A_34 = tpu.memref_squeeze %dma_start3A_33 : memref<1x79x128xi32, #tpu.memory_space<hbm>> -> memref<79x128xi32, #tpu.memory_space<hbm>>
      tpu.enqueue_dma source(%dma_start3A_34 : memref<79x128xi32, #tpu.memory_space<hbm>>) target(%arg6 : memref<79x128xi32, #tpu.memory_space<vmem>>) target_semaphore(%run_scoped3A : memref<!tpu.dma_semaphore, #tpu.memory_space<semaphore_mem>>)
      %dma_wait3A = arith.constant 0 : i32
      %dma_wait3A_35 = arith.constant 0 : i32
      %dma_wait3A_36 = tpu.memref_slice %arg2[%add3A, %dma_wait3A, %dma_wait3A_35] : memref<32x79x128xi32, #tpu.memory_space<hbm>> -> memref<1x79x128xi32, #tpu.memory_space<hbm>>
      %dma_wait3A_37 = tpu.memref_squeeze %dma_wait3A_36 : memref<1x79x128xi32, #tpu.memory_space<hbm>> -> memref<79x128xi32, #tpu.memory_space<hbm>>
      %dma_wait3A_38 = arith.constant 0 : i32
      %dma_wait3A_39 = arith.constant 0 : i32
      %dma_wait3A_40 = tpu.memref_slice %arg2[%add3A, %dma_wait3A_38, %dma_wait3A_39] : memref<32x79x128xi32, #tpu.memory_space<hbm>> -> memref<1x79x128xi32, #tpu.memory_space<hbm>>
      %dma_wait3A_41 = tpu.memref_squeeze %dma_wait3A_40 : memref<1x79x128xi32, #tpu.memory_space<hbm>> -> memref<79x128xi32, #tpu.memory_space<hbm>>
      tpu.wait_dma2 semaphore(%run_scoped3A : memref<!tpu.dma_semaphore, #tpu.memory_space<semaphore_mem>>) src(%dma_wait3A_41 : memref<79x128xi32, #tpu.memory_space<hbm>>) dst(%arg6 : memref<79x128xi32, #tpu.memory_space<vmem>>)
      tpu.yield
    }) : () -> ()
    "tpu.region"() ({
      %run_scoped3A = tpu.sem_alloc : memref<!tpu.dma_semaphore, #tpu.memory_space<semaphore_mem>>
      %dma_start3A = arith.constant 0 : i32
      %dma_start3A_28 = arith.constant 0 : i32
      %dma_start3A_29 = tpu.memref_slice %arg3[%add3A, %dma_start3A, %dma_start3A_28] : memref<32x79x128xi32, #tpu.memory_space<hbm>> -> memref<1x79x128xi32, #tpu.memory_space<hbm>>
      %dma_start3A_30 = tpu.memref_squeeze %dma_start3A_29 : memref<1x79x128xi32, #tpu.memory_space<hbm>> -> memref<79x128xi32, #tpu.memory_space<hbm>>
      %dma_start3A_31 = arith.constant 0 : i32
      %dma_start3A_32 = arith.constant 0 : i32
      %dma_start3A_33 = tpu.memref_slice %arg3[%add3A, %dma_start3A_31, %dma_start3A_32] : memref<32x79x128xi32, #tpu.memory_space<hbm>> -> memref<1x79x128xi32, #tpu.memory_space<hbm>>
      %dma_start3A_34 = tpu.memref_squeeze %dma_start3A_33 : memref<1x79x128xi32, #tpu.memory_space<hbm>> -> memref<79x128xi32, #tpu.memory_space<hbm>>
      tpu.enqueue_dma source(%dma_start3A_34 : memref<79x128xi32, #tpu.memory_space<hbm>>) target(%arg7 : memref<79x128xi32, #tpu.memory_space<vmem>>) target_semaphore(%run_scoped3A : memref<!tpu.dma_semaphore, #tpu.memory_space<semaphore_mem>>)
      %dma_wait3A = arith.constant 0 : i32
      %dma_wait3A_35 = arith.constant 0 : i32
      %dma_wait3A_36 = tpu.memref_slice %arg3[%add3A, %dma_wait3A, %dma_wait3A_35] : memref<32x79x128xi32, #tpu.memory_space<hbm>> -> memref<1x79x128xi32, #tpu.memory_space<hbm>>
      %dma_wait3A_37 = tpu.memref_squeeze %dma_wait3A_36 : memref<1x79x128xi32, #tpu.memory_space<hbm>> -> memref<79x128xi32, #tpu.memory_space<hbm>>
      %dma_wait3A_38 = arith.constant 0 : i32
      %dma_wait3A_39 = arith.constant 0 : i32
      %dma_wait3A_40 = tpu.memref_slice %arg3[%add3A, %dma_wait3A_38, %dma_wait3A_39] : memref<32x79x128xi32, #tpu.memory_space<hbm>> -> memref<1x79x128xi32, #tpu.memory_space<hbm>>
      %dma_wait3A_41 = tpu.memref_squeeze %dma_wait3A_40 : memref<1x79x128xi32, #tpu.memory_space<hbm>> -> memref<79x128xi32, #tpu.memory_space<hbm>>
      tpu.wait_dma2 semaphore(%run_scoped3A : memref<!tpu.dma_semaphore, #tpu.memory_space<semaphore_mem>>) src(%dma_wait3A_41 : memref<79x128xi32, #tpu.memory_space<hbm>>) dst(%arg7 : memref<79x128xi32, #tpu.memory_space<vmem>>)
      tpu.yield
    }) : () -> ()
    %barrier3A = arith.constant 0 : index
    tpu.barrier barrier_id(%barrier3A)
    %scan3A_20 = arith.constant 0 : i32
    %scan3A_21 = arith.constant 0 : i32
    %scan3A_22 = arith.constant 79 : i32
    %scan3A_23 = arith.addi %scan3A_21, %scan3A_22 : i32
    %scan3A_24 = arith.constant 1 : i32
    %scan3A_25 = scf.for %scan3A_28 = %scan3A_21 to %scan3A_23 step %scan3A_24 iter_args(%scan3A_29 = %scan3A_20) -> (i32)  : i32 {
      "tpu.region"() ({
        %run_scoped3A = tpu.sem_alloc : memref<!tpu.dma_semaphore, #tpu.memory_space<semaphore_mem>>
        %dma_start3A = arith.constant 0 : i32
        %dma_start3A_31 = tpu.memref_slice %arg6[%scan3A_28, %dma_start3A] : memref<79x128xi32, #tpu.memory_space<vmem>> -> memref<1x128xi32, #tpu.memory_space<vmem>>
        %dma_start3A_32 = tpu.memref_squeeze %dma_start3A_31 : memref<1x128xi32, #tpu.memory_space<vmem>> -> memref<128xi32, #tpu.memory_space<vmem>>
        %dma_start3A_33 = arith.constant 0 : i32
        %dma_start3A_34 = arith.constant 0 : i32
        %dma_start3A_35 = tpu.memref_slice %arg4[%dma_start3A_33, %dma_start3A_34] : memref<10000x128xf32, #tpu.memory_space<hbm>> -> memref<10000x128xf32, #tpu.memory_space<hbm>>
        tpu.enqueue_indirect_dma source(%dma_start3A_35 : memref<10000x128xf32, #tpu.memory_space<hbm>>) target(%arg8 : memref<128x128xf32, #tpu.memory_space<vmem>>) offsets(%dma_start3A_32 : memref<128xi32, #tpu.memory_space<vmem>>) semaphore(%run_scoped3A : memref<!tpu.dma_semaphore, #tpu.memory_space<semaphore_mem>>)
        %dma_wait3A = arith.constant 0 : i32
        %dma_wait3A_36 = tpu.memref_slice %arg6[%scan3A_28, %dma_wait3A] : memref<79x128xi32, #tpu.memory_space<vmem>> -> memref<1x128xi32, #tpu.memory_space<vmem>>
        %dma_wait3A_37 = tpu.memref_squeeze %dma_wait3A_36 : memref<1x128xi32, #tpu.memory_space<vmem>> -> memref<128xi32, #tpu.memory_space<vmem>>
        %dma_wait3A_38 = arith.constant 0 : i32
        %dma_wait3A_39 = arith.constant 0 : i32
        %dma_wait3A_40 = tpu.memref_slice %arg4[%dma_wait3A_38, %dma_wait3A_39] : memref<10000x128xf32, #tpu.memory_space<hbm>> -> memref<10000x128xf32, #tpu.memory_space<hbm>>
        tpu.wait_indirect_dma semaphore(%run_scoped3A : memref<!tpu.dma_semaphore, #tpu.memory_space<semaphore_mem>>) src(%dma_wait3A_40 : memref<10000x128xf32, #tpu.memory_space<hbm>>) dst(%arg8 : memref<128x128xf32, #tpu.memory_space<vmem>>)
        tpu.yield
      }) : () -> ()
      "tpu.region"() ({
        %run_scoped3A = tpu.sem_alloc : memref<!tpu.dma_semaphore, #tpu.memory_space<semaphore_mem>>
        %dma_start3A = arith.constant 0 : i32
        %dma_start3A_31 = tpu.memref_slice %arg7[%scan3A_28, %dma_start3A] : memref<79x128xi32, #tpu.memory_space<vmem>> -> memref<1x128xi32, #tpu.memory_space<vmem>>
        %dma_start3A_32 = tpu.memref_squeeze %dma_start3A_31 : memref<1x128xi32, #tpu.memory_space<vmem>> -> memref<128xi32, #tpu.memory_space<vmem>>
        %dma_start3A_33 = arith.constant 0 : i32
        %dma_start3A_34 = arith.constant 0 : i32
        %dma_start3A_35 = tpu.memref_slice %arg9[%dma_start3A_33, %dma_start3A_34] : memref<10112x128xf32, #tpu.memory_space<vmem_shared>> -> memref<10112x128xf32, #tpu.memory_space<vmem_shared>>
        tpu.enqueue_indirect_dma source(%arg8 : memref<128x128xf32, #tpu.memory_space<vmem>>) target(%dma_start3A_35 : memref<10112x128xf32, #tpu.memory_space<vmem_shared>>) offsets(%dma_start3A_32 : memref<128xi32, #tpu.memory_space<vmem>>) semaphore(%run_scoped3A : memref<!tpu.dma_semaphore, #tpu.memory_space<semaphore_mem>>) {add = true}
        %dma_wait3A = arith.constant 0 : i32
        %dma_wait3A_36 = tpu.memref_slice %arg7[%scan3A_28, %dma_wait3A] : memref<79x128xi32, #tpu.memory_space<vmem>> -> memref<1x128xi32, #tpu.memory_space<vmem>>
        %dma_wait3A_37 = tpu.memref_squeeze %dma_wait3A_36 : memref<1x128xi32, #tpu.memory_space<vmem>> -> memref<128xi32, #tpu.memory_space<vmem>>
        %dma_wait3A_38 = arith.constant 0 : i32
        %dma_wait3A_39 = arith.constant 0 : i32
        %dma_wait3A_40 = tpu.memref_slice %arg9[%dma_wait3A_38, %dma_wait3A_39] : memref<10112x128xf32, #tpu.memory_space<vmem_shared>> -> memref<10112x128xf32, #tpu.memory_space<vmem_shared>>
        tpu.wait_indirect_dma semaphore(%run_scoped3A : memref<!tpu.dma_semaphore, #tpu.memory_space<semaphore_mem>>) src(%arg8 : memref<128x128xf32, #tpu.memory_space<vmem>>) dst(%dma_wait3A_40 : memref<10112x128xf32, #tpu.memory_space<vmem_shared>>)
        tpu.yield
      }) : () -> ()
      %scan3A_30 = arith.constant 0 : i32
      scf.yield %scan3A_30 : i32
    }
    %scan3A_26 = arith.constant 79 : i32
    %barrier3A_27 = arith.constant 0 : index
    tpu.barrier barrier_id(%barrier3A_27)
    "tpu.region"() ({
      %run_scoped3A = tpu.sem_alloc : memref<!tpu.dma_semaphore, #tpu.memory_space<semaphore_mem>>
      %dma_start3A = arith.constant 0 : i32
      %dma_start3A_28 = tpu.memref_slice %arg5[%arg0, %mul3A_2, %dma_start3A] : memref<2x10112x128xf32, #tpu.memory_space<hbm>> -> memref<1x632x128xf32, #tpu.memory_space<hbm>>
      %dma_start3A_29 = tpu.memref_squeeze %dma_start3A_28 : memref<1x632x128xf32, #tpu.memory_space<hbm>> -> memref<632x128xf32, #tpu.memory_space<hbm>>
      %dma_start3A_30 = arith.constant 0 : i32
      %dma_start3A_31 = tpu.memref_slice %arg9[%mul3A_2, %dma_start3A_30] : memref<10112x128xf32, #tpu.memory_space<vmem_shared>> -> memref<632x128xf32, #tpu.memory_space<vmem_shared>>
      tpu.enqueue_dma source(%dma_start3A_31 : memref<632x128xf32, #tpu.memory_space<vmem_shared>>) target(%dma_start3A_29 : memref<632x128xf32, #tpu.memory_space<hbm>>) target_semaphore(%run_scoped3A : memref<!tpu.dma_semaphore, #tpu.memory_space<semaphore_mem>>)
      %dma_wait3A = arith.constant 0 : i32
      %dma_wait3A_32 = tpu.memref_slice %arg5[%arg0, %mul3A_2, %dma_wait3A] : memref<2x10112x128xf32, #tpu.memory_space<hbm>> -> memref<1x632x128xf32, #tpu.memory_space<hbm>>
      %dma_wait3A_33 = tpu.memref_squeeze %dma_wait3A_32 : memref<1x632x128xf32, #tpu.memory_space<hbm>> -> memref<632x128xf32, #tpu.memory_space<hbm>>
      %dma_wait3A_34 = arith.constant 0 : i32
      %dma_wait3A_35 = tpu.memref_slice %arg9[%mul3A_2, %dma_wait3A_34] : memref<10112x128xf32, #tpu.memory_space<vmem_shared>> -> memref<632x128xf32, #tpu.memory_space<vmem_shared>>
      tpu.wait_dma2 semaphore(%run_scoped3A : memref<!tpu.dma_semaphore, #tpu.memory_space<semaphore_mem>>) src(%dma_wait3A_35 : memref<632x128xf32, #tpu.memory_space<vmem_shared>>) dst(%dma_wait3A_33 : memref<632x128xf32, #tpu.memory_space<hbm>>)
      tpu.yield
    }) : () -> ()
    return
  }
}

#map = affine_map<(d0, d1) -> (0, 0, 0)>
#map1 = affine_map<(d0, d1) -> (0, 0)>
module attributes {stable_mosaic.version = 14 : i64} {
  func.func @body(%arg0: i32, %arg1: i32, %arg2: memref<32x79x128xi32, #tpu.memory_space<hbm>>, %arg3: memref<32x79x128xi32, #tpu.memory_space<hbm>>, %arg4: memref<10000x128xf32, #tpu.memory_space<hbm>>, %arg5: memref<2x10112x128xf32, #tpu.memory_space<hbm>>, %arg6: memref<79x128xi32, #tpu.memory_space<vmem>>, %arg7: memref<79x128xi32, #tpu.memory_space<vmem>>, %arg8: memref<128x128xf32, #tpu.memory_space<vmem>>, %arg9: memref<10112x128xf32, #tpu.memory_space<vmem_shared>>) attributes {dimension_semantics = [#tpu.dimension_semantics<core_parallel>, #tpu.dimension_semantics<subcore_parallel>], iteration_bounds = array<i64: 2, 16>, scalar_prefetch = 0 : i64, scratch_operands = 4 : i64, tpu.core_type = #tpu.core_type<sc_vector_subcore>, window_params = [{transform_indices = #map}, {transform_indices = #map}, {transform_indices = #map1}, {transform_indices = #map}]} {
    %mul3A = arith.constant 16 : i32
    %mul3A_0 = arith.muli %arg0, %mul3A : i32
    %add3A = arith.addi %mul3A_0, %arg1 : i32
    %mul3A_1 = arith.constant 632 : i32
    %mul3A_2 = arith.muli %arg1, %mul3A_1 : i32
    %broadcast_in_dim3A = arith.constant 0.000000e+00 : f32
    %broadcast_in_dim3A_3 = vector.broadcast %broadcast_in_dim3A : f32 to vector<16xf32>
    %scan3A = arith.constant 0 : i32
    %scan3A_4 = arith.constant 0 : i32
    %scan3A_5 = arith.constant 1024 : i32
    %scan3A_6 = arith.addi %scan3A_4, %scan3A_5 : i32
    %scan3A_7 = arith.constant 1 : i32
    %scan3A_8 = scf.for %scan3A_28 = %scan3A_4 to %scan3A_6 step %scan3A_7 iter_args(%scan3A_29 = %scan3A) -> (i32)  : i32 {
      %jit3A = arith.constant 8 : i32
      %div3A = arith.divsi %scan3A_28, %jit3A : i32
      %sign3A = arith.constant 0 : i32
      %sign3A_30 = arith.cmpi sgt, %scan3A_28, %sign3A : i32
      %sign3A_31 = arith.extui %sign3A_30 : i1 to i32
      %sign3A_32 = arith.constant 0 : i32
      %sign3A_33 = arith.cmpi slt, %scan3A_28, %sign3A_32 : i32
      %sign3A_34 = arith.extui %sign3A_33 : i1 to i32
      %sign3A_35 = arith.subi %sign3A_31, %sign3A_34 : i32
      %sign3A_36 = arith.constant 0 : i32
      %sign3A_37 = arith.cmpi sgt, %jit3A, %sign3A_36 : i32
      %sign3A_38 = arith.extui %sign3A_37 : i1 to i32
      %sign3A_39 = arith.constant 0 : i32
      %sign3A_40 = arith.cmpi slt, %jit3A, %sign3A_39 : i32
      %sign3A_41 = arith.extui %sign3A_40 : i1 to i32
      %sign3A_42 = arith.subi %sign3A_38, %sign3A_41 : i32
      %ne3A = arith.cmpi ne, %sign3A_35, %sign3A_42 : i32
      %rem3A = arith.remsi %scan3A_28, %jit3A : i32
      %ne3A_43 = arith.constant 0 : i32
      %ne3A_44 = arith.cmpi ne, %rem3A, %ne3A_43 : i32
      %and3A = arith.andi %ne3A, %ne3A_44 : i1
      %sub3A = arith.constant 1 : i32
      %sub3A_45 = arith.subi %div3A, %sub3A : i32
      %select_n3A = arith.select %and3A, %sub3A_45, %div3A : i32
      %jit3A_46 = arith.constant 8 : i32
      %eq3A = arith.constant 0 : i32
      %eq3A_47 = arith.cmpi eq, %jit3A_46, %eq3A : i32
      %jit3A_48 = arith.constant 1 : i32
      %select_n3A_49 = arith.select %eq3A_47, %jit3A_48, %jit3A_46 : i32
      %rem3A_50 = arith.remsi %scan3A_28, %select_n3A_49 : i32
      %ne3A_51 = arith.constant 0 : i32
      %ne3A_52 = arith.cmpi ne, %rem3A_50, %ne3A_51 : i32
      %lt3A = arith.constant 0 : i32
      %lt3A_53 = arith.cmpi slt, %rem3A_50, %lt3A : i32
      %lt3A_54 = arith.constant 0 : i32
      %lt3A_55 = arith.cmpi slt, %select_n3A_49, %lt3A_54 : i32
      %ne3A_56 = arith.xori %lt3A_53, %lt3A_55 : i1
      %and3A_57 = arith.andi %ne3A_56, %ne3A_52 : i1
      %add3A_58 = arith.addi %rem3A_50, %select_n3A_49 : i32
      %select_n3A_59 = arith.select %and3A_57, %add3A_58, %rem3A_50 : i32
      %mul3A_60 = arith.constant 16 : i32
      %mul3A_61 = arith.muli %select_n3A_59, %mul3A_60 : i32
      %swap3A = arith.index_cast %select_n3A : i32 to index
      %swap3A_62 = arith.index_cast %mul3A_61 : i32 to index
      %swap3A_63 = tpu.vector_load %arg8[%swap3A, %swap3A_62] {strides = array<i32>} : memref<128x128xf32, #tpu.memory_space<vmem>>, vector<1x16xf32>,
      %swap3A_64 = vector.shape_cast %swap3A_63 : vector<1x16xf32> to vector<16xf32>
      %swap3A_65 = vector.shape_cast %broadcast_in_dim3A_3 : vector<16xf32> to vector<1x16xf32>
      tpu.vector_store %arg8[%swap3A, %swap3A_62], %swap3A_65 {strides = array<i32>} : memref<128x128xf32, #tpu.memory_space<vmem>>, vector<1x16xf32>,
      %scan3A_66 = arith.constant 0 : i32
      scf.yield %scan3A_66 : i32
    }
    %scan3A_9 = arith.constant 1024 : i32
    %add3A_10 = arith.constant 0 : i32
    %add3A_11 = arith.addi %mul3A_2, %add3A_10 : i32
    "tpu.region"() ({
      %run_scoped3A = tpu.sem_alloc : memref<!tpu.dma_semaphore, #tpu.memory_space<semaphore_mem>>
      %dma_start3A = arith.constant 0 : i32
      %dma_start3A_28 = tpu.memref_slice %arg9[%add3A_11, %dma_start3A] : memref<10112x128xf32, #tpu.memory_space<vmem_shared>> -> memref<128x128xf32, #tpu.memory_space<vmem_shared>>
      %dma_start3A_29 = arith.constant 0 : i32
      %dma_start3A_30 = tpu.memref_slice %arg9[%add3A_11, %dma_start3A_29] : memref<10112x128xf32, #tpu.memory_space<vmem_shared>> -> memref<128x128xf32, #tpu.memory_space<vmem_shared>>
      tpu.enqueue_dma source(%arg8 : memref<128x128xf32, #tpu.memory_space<vmem>>) target(%dma_start3A_30 : memref<128x128xf32, #tpu.memory_space<vmem_shared>>) target_semaphore(%run_scoped3A : memref<!tpu.dma_semaphore, #tpu.memory_space<semaphore_mem>>)
      %dma_wait3A = arith.constant 0 : i32
      %dma_wait3A_31 = tpu.memref_slice %arg9[%add3A_11, %dma_wait3A] : memref<10112x128xf32, #tpu.memory_space<vmem_shared>> -> memref<128x128xf32, #tpu.memory_space<vmem_shared>>
      %dma_wait3A_32 = arith.constant 0 : i32
      %dma_wait3A_33 = tpu.memref_slice %arg9[%add3A_11, %dma_wait3A_32] : memref<10112x128xf32, #tpu.memory_space<vmem_shared>> -> memref<128x128xf32, #tpu.memory_space<vmem_shared>>
      tpu.wait_dma2 semaphore(%run_scoped3A : memref<!tpu.dma_semaphore, #tpu.memory_space<semaphore_mem>>) src(%arg8 : memref<128x128xf32, #tpu.memory_space<vmem>>) dst(%dma_wait3A_33 : memref<128x128xf32, #tpu.memory_space<vmem_shared>>)
      tpu.yield
    }) : () -> ()
    %add3A_12 = arith.constant 128 : i32
    %add3A_13 = arith.addi %mul3A_2, %add3A_12 : i32
    "tpu.region"() ({
      %run_scoped3A = tpu.sem_alloc : memref<!tpu.dma_semaphore, #tpu.memory_space<semaphore_mem>>
      %dma_start3A = arith.constant 0 : i32
      %dma_start3A_28 = tpu.memref_slice %arg9[%add3A_13, %dma_start3A] : memref<10112x128xf32, #tpu.memory_space<vmem_shared>> -> memref<128x128xf32, #tpu.memory_space<vmem_shared>>
      %dma_start3A_29 = arith.constant 0 : i32
      %dma_start3A_30 = tpu.memref_slice %arg9[%add3A_13, %dma_start3A_29] : memref<10112x128xf32, #tpu.memory_space<vmem_shared>> -> memref<128x128xf32, #tpu.memory_space<vmem_shared>>
      tpu.enqueue_dma source(%arg8 : memref<128x128xf32, #tpu.memory_space<vmem>>) target(%dma_start3A_30 : memref<128x128xf32, #tpu.memory_space<vmem_shared>>) target_semaphore(%run_scoped3A : memref<!tpu.dma_semaphore, #tpu.memory_space<semaphore_mem>>)
      %dma_wait3A = arith.constant 0 : i32
      %dma_wait3A_31 = tpu.memref_slice %arg9[%add3A_13, %dma_wait3A] : memref<10112x128xf32, #tpu.memory_space<vmem_shared>> -> memref<128x128xf32, #tpu.memory_space<vmem_shared>>
      %dma_wait3A_32 = arith.constant 0 : i32
      %dma_wait3A_33 = tpu.memref_slice %arg9[%add3A_13, %dma_wait3A_32] : memref<10112x128xf32, #tpu.memory_space<vmem_shared>> -> memref<128x128xf32, #tpu.memory_space<vmem_shared>>
      tpu.wait_dma2 semaphore(%run_scoped3A : memref<!tpu.dma_semaphore, #tpu.memory_space<semaphore_mem>>) src(%arg8 : memref<128x128xf32, #tpu.memory_space<vmem>>) dst(%dma_wait3A_33 : memref<128x128xf32, #tpu.memory_space<vmem_shared>>)
      tpu.yield
    }) : () -> ()
    %add3A_14 = arith.constant 256 : i32
    %add3A_15 = arith.addi %mul3A_2, %add3A_14 : i32
    "tpu.region"() ({
      %run_scoped3A = tpu.sem_alloc : memref<!tpu.dma_semaphore, #tpu.memory_space<semaphore_mem>>
      %dma_start3A = arith.constant 0 : i32
      %dma_start3A_28 = tpu.memref_slice %arg9[%add3A_15, %dma_start3A] : memref<10112x128xf32, #tpu.memory_space<vmem_shared>> -> memref<128x128xf32, #tpu.memory_space<vmem_shared>>
      %dma_start3A_29 = arith.constant 0 : i32
      %dma_start3A_30 = tpu.memref_slice %arg9[%add3A_15, %dma_start3A_29] : memref<10112x128xf32, #tpu.memory_space<vmem_shared>> -> memref<128x128xf32, #tpu.memory_space<vmem_shared>>
      tpu.enqueue_dma source(%arg8 : memref<128x128xf32, #tpu.memory_space<vmem>>) target(%dma_start3A_30 : memref<128x128xf32, #tpu.memory_space<vmem_shared>>) target_semaphore(%run_scoped3A : memref<!tpu.dma_semaphore, #tpu.memory_space<semaphore_mem>>)
      %dma_wait3A = arith.constant 0 : i32
      %dma_wait3A_31 = tpu.memref_slice %arg9[%add3A_15, %dma_wait3A] : memref<10112x128xf32, #tpu.memory_space<vmem_shared>> -> memref<128x128xf32, #tpu.memory_space<vmem_shared>>
      %dma_wait3A_32 = arith.constant 0 : i32
      %dma_wait3A_33 = tpu.memref_slice %arg9[%add3A_15, %dma_wait3A_32] : memref<10112x128xf32, #tpu.memory_space<vmem_shared>> -> memref<128x128xf32, #tpu.memory_space<vmem_shared>>
      tpu.wait_dma2 semaphore(%run_scoped3A : memref<!tpu.dma_semaphore, #tpu.memory_space<semaphore_mem>>) src(%arg8 : memref<128x128xf32, #tpu.memory_space<vmem>>) dst(%dma_wait3A_33 : memref<128x128xf32, #tpu.memory_space<vmem_shared>>)
      tpu.yield
    }) : () -> ()
    %add3A_16 = arith.constant 384 : i32
    %add3A_17 = arith.addi %mul3A_2, %add3A_16 : i32
    "tpu.region"() ({
      %run_scoped3A = tpu.sem_alloc : memref<!tpu.dma_semaphore, #tpu.memory_space<semaphore_mem>>
      %dma_start3A = arith.constant 0 : i32
      %dma_start3A_28 = tpu.memref_slice %arg9[%add3A_17, %dma_start3A] : memref<10112x128xf32, #tpu.memory_space<vmem_shared>> -> memref<128x128xf32, #tpu.memory_space<vmem_shared>>
      %dma_start3A_29 = arith.constant 0 : i32
      %dma_start3A_30 = tpu.memref_slice %arg9[%add3A_17, %dma_start3A_29] : memref<10112x128xf32, #tpu.memory_space<vmem_shared>> -> memref<128x128xf32, #tpu.memory_space<vmem_shared>>
      tpu.enqueue_dma source(%arg8 : memref<128x128xf32, #tpu.memory_space<vmem>>) target(%dma_start3A_30 : memref<128x128xf32, #tpu.memory_space<vmem_shared>>) target_semaphore(%run_scoped3A : memref<!tpu.dma_semaphore, #tpu.memory_space<semaphore_mem>>)
      %dma_wait3A = arith.constant 0 : i32
      %dma_wait3A_31 = tpu.memref_slice %arg9[%add3A_17, %dma_wait3A] : memref<10112x128xf32, #tpu.memory_space<vmem_shared>> -> memref<128x128xf32, #tpu.memory_space<vmem_shared>>
      %dma_wait3A_32 = arith.constant 0 : i32
      %dma_wait3A_33 = tpu.memref_slice %arg9[%add3A_17, %dma_wait3A_32] : memref<10112x128xf32, #tpu.memory_space<vmem_shared>> -> memref<128x128xf32, #tpu.memory_space<vmem_shared>>
      tpu.wait_dma2 semaphore(%run_scoped3A : memref<!tpu.dma_semaphore, #tpu.memory_space<semaphore_mem>>) src(%arg8 : memref<128x128xf32, #tpu.memory_space<vmem>>) dst(%dma_wait3A_33 : memref<128x128xf32, #tpu.memory_space<vmem_shared>>)
      tpu.yield
    }) : () -> ()
    %add3A_18 = arith.constant 512 : i32
    %add3A_19 = arith.addi %mul3A_2, %add3A_18 : i32
    "tpu.region"() ({
      %run_scoped3A = tpu.sem_alloc : memref<!tpu.dma_semaphore, #tpu.memory_space<semaphore_mem>>
      %dma_start3A = arith.constant 0 : i32
      %dma_start3A_28 = arith.constant 0 : i32
      %dma_start3A_29 = tpu.memref_slice %arg8[%dma_start3A, %dma_start3A_28] : memref<128x128xf32, #tpu.memory_space<vmem>> -> memref<120x128xf32, #tpu.memory_space<vmem>>
      %dma_start3A_30 = arith.constant 0 : i32
      %dma_start3A_31 = tpu.memref_slice %arg9[%add3A_19, %dma_start3A_30] : memref<10112x128xf32, #tpu.memory_space<vmem_shared>> -> memref<120x128xf32, #tpu.memory_space<vmem_shared>>
      %dma_start3A_32 = arith.constant 0 : i32
      %dma_start3A_33 = tpu.memref_slice %arg9[%add3A_19, %dma_start3A_32] : memref<10112x128xf32, #tpu.memory_space<vmem_shared>> -> memref<120x128xf32, #tpu.memory_space<vmem_shared>>
      %dma_start3A_34 = arith.constant 0 : i32
      %dma_start3A_35 = arith.constant 0 : i32
      %dma_start3A_36 = tpu.memref_slice %arg8[%dma_start3A_34, %dma_start3A_35] : memref<128x128xf32, #tpu.memory_space<vmem>> -> memref<120x128xf32, #tpu.memory_space<vmem>>
      tpu.enqueue_dma source(%dma_start3A_36 : memref<120x128xf32, #tpu.memory_space<vmem>>) target(%dma_start3A_33 : memref<120x128xf32, #tpu.memory_space<vmem_shared>>) target_semaphore(%run_scoped3A : memref<!tpu.dma_semaphore, #tpu.memory_space<semaphore_mem>>)
      %dma_wait3A = arith.constant 0 : i32
      %dma_wait3A_37 = arith.constant 0 : i32
      %dma_wait3A_38 = tpu.memref_slice %arg8[%dma_wait3A, %dma_wait3A_37] : memref<128x128xf32, #tpu.memory_space<vmem>> -> memref<120x128xf32, #tpu.memory_space<vmem>>
      %dma_wait3A_39 = arith.constant 0 : i32
      %dma_wait3A_40 = tpu.memref_slice %arg9[%add3A_19, %dma_wait3A_39] : memref<10112x128xf32, #tpu.memory_space<vmem_shared>> -> memref<120x128xf32, #tpu.memory_space<vmem_shared>>
      %dma_wait3A_41 = arith.constant 0 : i32
      %dma_wait3A_42 = tpu.memref_slice %arg9[%add3A_19, %dma_wait3A_41] : memref<10112x128xf32, #tpu.memory_space<vmem_shared>> -> memref<120x128xf32, #tpu.memory_space<vmem_shared>>
      %dma_wait3A_43 = arith.constant 0 : i32
      %dma_wait3A_44 = arith.constant 0 : i32
      %dma_wait3A_45 = tpu.memref_slice %arg8[%dma_wait3A_43, %dma_wait3A_44] : memref<128x128xf32, #tpu.memory_space<vmem>> -> memref<120x128xf32, #tpu.memory_space<vmem>>
      tpu.wait_dma2 semaphore(%run_scoped3A : memref<!tpu.dma_semaphore, #tpu.memory_space<semaphore_mem>>) src(%dma_wait3A_45 : memref<120x128xf32, #tpu.memory_space<vmem>>) dst(%dma_wait3A_42 : memref<120x128xf32, #tpu.memory_space<vmem_shared>>)
      tpu.yield
    }) : () -> ()
    "tpu.region"() ({
      %run_scoped3A = tpu.sem_alloc : memref<!tpu.dma_semaphore, #tpu.memory_space<semaphore_mem>>
      %dma_start3A = arith.constant 0 : i32
      %dma_start3A_28 = arith.constant 0 : i32
      %dma_start3A_29 = tpu.memref_slice %arg2[%add3A, %dma_start3A, %dma_start3A_28] : memref<32x79x128xi32, #tpu.memory_space<hbm>> -> memref<1x79x128xi32, #tpu.memory_space<hbm>>
      %dma_start3A_30 = tpu.memref_squeeze %dma_start3A_29 : memref<1x79x128xi32, #tpu.memory_space<hbm>> -> memref<79x128xi32, #tpu.memory_space<hbm>>
      %dma_start3A_31 = arith.constant 0 : i32
      %dma_start3A_32 = arith.constant 0 : i32
      %dma_start3A_33 = tpu.memref_slice %arg2[%add3A, %dma_start3A_31, %dma_start3A_32] : memref<32x79x128xi32, #tpu.memory_space<hbm>> -> memref<1x79x128xi32, #tpu.memory_space<hbm>>
      %dma_start3A_34 = tpu.memref_squeeze %dma_start3A_33 : memref<1x79x128xi32, #tpu.memory_space<hbm>> -> memref<79x128xi32, #tpu.memory_space<hbm>>
      tpu.enqueue_dma source(%dma_start3A_34 : memref<79x128xi32, #tpu.memory_space<hbm>>) target(%arg6 : memref<79x128xi32, #tpu.memory_space<vmem>>) target_semaphore(%run_scoped3A : memref<!tpu.dma_semaphore, #tpu.memory_space<semaphore_mem>>)
      %dma_wait3A = arith.constant 0 : i32
      %dma_wait3A_35 = arith.constant 0 : i32
      %dma_wait3A_36 = tpu.memref_slice %arg2[%add3A, %dma_wait3A, %dma_wait3A_35] : memref<32x79x128xi32, #tpu.memory_space<hbm>> -> memref<1x79x128xi32, #tpu.memory_space<hbm>>
      %dma_wait3A_37 = tpu.memref_squeeze %dma_wait3A_36 : memref<1x79x128xi32, #tpu.memory_space<hbm>> -> memref<79x128xi32, #tpu.memory_space<hbm>>
      %dma_wait3A_38 = arith.constant 0 : i32
      %dma_wait3A_39 = arith.constant 0 : i32
      %dma_wait3A_40 = tpu.memref_slice %arg2[%add3A, %dma_wait3A_38, %dma_wait3A_39] : memref<32x79x128xi32, #tpu.memory_space<hbm>> -> memref<1x79x128xi32, #tpu.memory_space<hbm>>
      %dma_wait3A_41 = tpu.memref_squeeze %dma_wait3A_40 : memref<1x79x128xi32, #tpu.memory_space<hbm>> -> memref<79x128xi32, #tpu.memory_space<hbm>>
      tpu.wait_dma2 semaphore(%run_scoped3A : memref<!tpu.dma_semaphore, #tpu.memory_space<semaphore_mem>>) src(%dma_wait3A_41 : memref<79x128xi32, #tpu.memory_space<hbm>>) dst(%arg6 : memref<79x128xi32, #tpu.memory_space<vmem>>)
      tpu.yield
    }) : () -> ()
    "tpu.region"() ({
      %run_scoped3A = tpu.sem_alloc : memref<!tpu.dma_semaphore, #tpu.memory_space<semaphore_mem>>
      %dma_start3A = arith.constant 0 : i32
      %dma_start3A_28 = arith.constant 0 : i32
      %dma_start3A_29 = tpu.memref_slice %arg3[%add3A, %dma_start3A, %dma_start3A_28] : memref<32x79x128xi32, #tpu.memory_space<hbm>> -> memref<1x79x128xi32, #tpu.memory_space<hbm>>
      %dma_start3A_30 = tpu.memref_squeeze %dma_start3A_29 : memref<1x79x128xi32, #tpu.memory_space<hbm>> -> memref<79x128xi32, #tpu.memory_space<hbm>>
      %dma_start3A_31 = arith.constant 0 : i32
      %dma_start3A_32 = arith.constant 0 : i32
      %dma_start3A_33 = tpu.memref_slice %arg3[%add3A, %dma_start3A_31, %dma_start3A_32] : memref<32x79x128xi32, #tpu.memory_space<hbm>> -> memref<1x79x128xi32, #tpu.memory_space<hbm>>
      %dma_start3A_34 = tpu.memref_squeeze %dma_start3A_33 : memref<1x79x128xi32, #tpu.memory_space<hbm>> -> memref<79x128xi32, #tpu.memory_space<hbm>>
      tpu.enqueue_dma source(%dma_start3A_34 : memref<79x128xi32, #tpu.memory_space<hbm>>) target(%arg7 : memref<79x128xi32, #tpu.memory_space<vmem>>) target_semaphore(%run_scoped3A : memref<!tpu.dma_semaphore, #tpu.memory_space<semaphore_mem>>)
      %dma_wait3A = arith.constant 0 : i32
      %dma_wait3A_35 = arith.constant 0 : i32
      %dma_wait3A_36 = tpu.memref_slice %arg3[%add3A, %dma_wait3A, %dma_wait3A_35] : memref<32x79x128xi32, #tpu.memory_space<hbm>> -> memref<1x79x128xi32, #tpu.memory_space<hbm>>
      %dma_wait3A_37 = tpu.memref_squeeze %dma_wait3A_36 : memref<1x79x128xi32, #tpu.memory_space<hbm>> -> memref<79x128xi32, #tpu.memory_space<hbm>>
      %dma_wait3A_38 = arith.constant 0 : i32
      %dma_wait3A_39 = arith.constant 0 : i32
      %dma_wait3A_40 = tpu.memref_slice %arg3[%add3A, %dma_wait3A_38, %dma_wait3A_39] : memref<32x79x128xi32, #tpu.memory_space<hbm>> -> memref<1x79x128xi32, #tpu.memory_space<hbm>>
      %dma_wait3A_41 = tpu.memref_squeeze %dma_wait3A_40 : memref<1x79x128xi32, #tpu.memory_space<hbm>> -> memref<79x128xi32, #tpu.memory_space<hbm>>
      tpu.wait_dma2 semaphore(%run_scoped3A : memref<!tpu.dma_semaphore, #tpu.memory_space<semaphore_mem>>) src(%dma_wait3A_41 : memref<79x128xi32, #tpu.memory_space<hbm>>) dst(%arg7 : memref<79x128xi32, #tpu.memory_space<vmem>>)
      tpu.yield
    }) : () -> ()
    %barrier3A = arith.constant 0 : index
    tpu.barrier barrier_id(%barrier3A)
    %scan3A_20 = arith.constant 0 : i32
    %scan3A_21 = arith.constant 0 : i32
    %scan3A_22 = arith.constant 79 : i32
    %scan3A_23 = arith.addi %scan3A_21, %scan3A_22 : i32
    %scan3A_24 = arith.constant 1 : i32
    %scan3A_25 = scf.for %scan3A_28 = %scan3A_21 to %scan3A_23 step %scan3A_24 iter_args(%scan3A_29 = %scan3A_20) -> (i32)  : i32 {
      "tpu.region"() ({
        %run_scoped3A = tpu.sem_alloc : memref<!tpu.dma_semaphore, #tpu.memory_space<semaphore_mem>>
        %dma_start3A = arith.constant 0 : i32
        %dma_start3A_31 = tpu.memref_slice %arg6[%scan3A_28, %dma_start3A] : memref<79x128xi32, #tpu.memory_space<vmem>> -> memref<1x128xi32, #tpu.memory_space<vmem>>
        %dma_start3A_32 = tpu.memref_squeeze %dma_start3A_31 : memref<1x128xi32, #tpu.memory_space<vmem>> -> memref<128xi32, #tpu.memory_space<vmem>>
        %dma_start3A_33 = arith.constant 0 : i32
        %dma_start3A_34 = arith.constant 0 : i32
        %dma_start3A_35 = tpu.memref_slice %arg4[%dma_start3A_33, %dma_start3A_34] : memref<10000x128xf32, #tpu.memory_space<hbm>> -> memref<10000x128xf32, #tpu.memory_space<hbm>>
        tpu.enqueue_indirect_dma source(%dma_start3A_35 : memref<10000x128xf32, #tpu.memory_space<hbm>>) target(%arg8 : memref<128x128xf32, #tpu.memory_space<vmem>>) offsets(%dma_start3A_32 : memref<128xi32, #tpu.memory_space<vmem>>) semaphore(%run_scoped3A : memref<!tpu.dma_semaphore, #tpu.memory_space<semaphore_mem>>)
        %dma_wait3A = arith.constant 0 : i32
        %dma_wait3A_36 = tpu.memref_slice %arg6[%scan3A_28, %dma_wait3A] : memref<79x128xi32, #tpu.memory_space<vmem>> -> memref<1x128xi32, #tpu.memory_space<vmem>>
        %dma_wait3A_37 = tpu.memref_squeeze %dma_wait3A_36 : memref<1x128xi32, #tpu.memory_space<vmem>> -> memref<128xi32, #tpu.memory_space<vmem>>
        %dma_wait3A_38 = arith.constant 0 : i32
        %dma_wait3A_39 = arith.constant 0 : i32
        %dma_wait3A_40 = tpu.memref_slice %arg4[%dma_wait3A_38, %dma_wait3A_39] : memref<10000x128xf32, #tpu.memory_space<hbm>> -> memref<10000x128xf32, #tpu.memory_space<hbm>>
        tpu.wait_indirect_dma semaphore(%run_scoped3A : memref<!tpu.dma_semaphore, #tpu.memory_space<semaphore_mem>>) src(%dma_wait3A_40 : memref<10000x128xf32, #tpu.memory_space<hbm>>) dst(%arg8 : memref<128x128xf32, #tpu.memory_space<vmem>>)
        tpu.yield
      }) : () -> ()
      "tpu.region"() ({
        %run_scoped3A = tpu.sem_alloc : memref<!tpu.dma_semaphore, #tpu.memory_space<semaphore_mem>>
        %dma_start3A = arith.constant 0 : i32
        %dma_start3A_31 = tpu.memref_slice %arg7[%scan3A_28, %dma_start3A] : memref<79x128xi32, #tpu.memory_space<vmem>> -> memref<1x128xi32, #tpu.memory_space<vmem>>
        %dma_start3A_32 = tpu.memref_squeeze %dma_start3A_31 : memref<1x128xi32, #tpu.memory_space<vmem>> -> memref<128xi32, #tpu.memory_space<vmem>>
        %dma_start3A_33 = arith.constant 0 : i32
        %dma_start3A_34 = arith.constant 0 : i32
        %dma_start3A_35 = tpu.memref_slice %arg9[%dma_start3A_33, %dma_start3A_34] : memref<10112x128xf32, #tpu.memory_space<vmem_shared>> -> memref<10112x128xf32, #tpu.memory_space<vmem_shared>>
        tpu.enqueue_indirect_dma source(%arg8 : memref<128x128xf32, #tpu.memory_space<vmem>>) target(%dma_start3A_35 : memref<10112x128xf32, #tpu.memory_space<vmem_shared>>) offsets(%dma_start3A_32 : memref<128xi32, #tpu.memory_space<vmem>>) semaphore(%run_scoped3A : memref<!tpu.dma_semaphore, #tpu.memory_space<semaphore_mem>>) {add = true}
        %dma_wait3A = arith.constant 0 : i32
        %dma_wait3A_36 = tpu.memref_slice %arg7[%scan3A_28, %dma_wait3A] : memref<79x128xi32, #tpu.memory_space<vmem>> -> memref<1x128xi32, #tpu.memory_space<vmem>>
        %dma_wait3A_37 = tpu.memref_squeeze %dma_wait3A_36 : memref<1x128xi32, #tpu.memory_space<vmem>> -> memref<128xi32, #tpu.memory_space<vmem>>
        %dma_wait3A_38 = arith.constant 0 : i32
        %dma_wait3A_39 = arith.constant 0 : i32
        %dma_wait3A_40 = tpu.memref_slice %arg9[%dma_wait3A_38, %dma_wait3A_39] : memref<10112x128xf32, #tpu.memory_space<vmem_shared>> -> memref<10112x128xf32, #tpu.memory_space<vmem_shared>>
        tpu.wait_indirect_dma semaphore(%run_scoped3A : memref<!tpu.dma_semaphore, #tpu.memory_space<semaphore_mem>>) src(%arg8 : memref<128x128xf32, #tpu.memory_space<vmem>>) dst(%dma_wait3A_40 : memref<10112x128xf32, #tpu.memory_space<vmem_shared>>)
        tpu.yield
      }) : () -> ()
      %scan3A_30 = arith.constant 0 : i32
      scf.yield %scan3A_30 : i32
    }
    %scan3A_26 = arith.constant 79 : i32
    %barrier3A_27 = arith.constant 0 : index
    tpu.barrier barrier_id(%barrier3A_27)
    "tpu.region"() ({
      %run_scoped3A = tpu.sem_alloc : memref<!tpu.dma_semaphore, #tpu.memory_space<semaphore_mem>>
      %dma_start3A = arith.constant 0 : i32
      %dma_start3A_28 = tpu.memref_slice %arg5[%arg0, %mul3A_2, %dma_start3A] : memref<2x10112x128xf32, #tpu.memory_space<hbm>> -> memref<1x632x128xf32, #tpu.memory_space<hbm>>
      %dma_start3A_29 = tpu.memref_squeeze %dma_start3A_28 : memref<1x632x128xf32, #tpu.memory_space<hbm>> -> memref<632x128xf32, #tpu.memory_space<hbm>>
      %dma_start3A_30 = arith.constant 0 : i32
      %dma_start3A_31 = tpu.memref_slice %arg9[%mul3A_2, %dma_start3A_30] : memref<10112x128xf32, #tpu.memory_space<vmem_shared>> -> memref<632x128xf32, #tpu.memory_space<vmem_shared>>
      tpu.enqueue_dma source(%dma_start3A_31 : memref<632x128xf32, #tpu.memory_space<vmem_shared>>) target(%dma_start3A_29 : memref<632x128xf32, #tpu.memory_space<hbm>>) target_semaphore(%run_scoped3A : memref<!tpu.dma_semaphore, #tpu.memory_space<semaphore_mem>>)
      %dma_wait3A = arith.constant 0 : i32
      %dma_wait3A_32 = tpu.memref_slice %arg5[%arg0, %mul3A_2, %dma_wait3A] : memref<2x10112x128xf32, #tpu.memory_space<hbm>> -> memref<1x632x128xf32, #tpu.memory_space<hbm>>
      %dma_wait3A_33 = tpu.memref_squeeze %dma_wait3A_32 : memref<1x632x128xf32, #tpu.memory_space<hbm>> -> memref<632x128xf32, #tpu.memory_space<hbm>>
      %dma_wait3A_34 = arith.constant 0 : i32
      %dma_wait3A_35 = tpu.memref_slice %arg9[%mul3A_2, %dma_wait3A_34] : memref<10112x128xf32, #tpu.memory_space<vmem_shared>> -> memref<632x128xf32, #tpu.memory_space<vmem_shared>>
      tpu.wait_dma2 semaphore(%run_scoped3A : memref<!tpu.dma_semaphore, #tpu.memory_space<semaphore_mem>>) src(%dma_wait3A_35 : memref<632x128xf32, #tpu.memory_space<vmem_shared>>) dst(%dma_wait3A_33 : memref<632x128xf32, #tpu.memory_space<hbm>>)
      tpu.yield
    }) : () -> ()
    return
  }
}

module attributes {stable_mosaic.version = 14 : i64} {
  func.func @body(%arg0: i32, %arg1: memref<2000x128xf32, #tpu.memory_space<vmem>>, %arg2: memref<128x128xf32, #tpu.memory_space<vmem>>, %arg3: memref<1x128xf32, #tpu.memory_space<vmem>>, %arg4: memref<2000x128xf32, #tpu.memory_space<vmem>>) attributes {dimension_semantics = [#tpu.dimension_semantics<arbitrary>], iteration_bounds = array<i64: 5>, scalar_prefetch = 0 : i64, scratch_operands = 0 : i64, tpu.core_type = #tpu.core_type<tc>, window_params = [{transform_indices = @transform_0, window_bounds = array<i64: 2000, 128>}, {pipeline_mode = #tpu.pipeline_mode<synchronous>, transform_indices = @transform_1, window_bounds = array<i64: 128, 128>}, {pipeline_mode = #tpu.pipeline_mode<synchronous>, transform_indices = @transform_2, window_bounds = array<i64: 1, 128>}, {transform_indices = @transform_3, window_bounds = array<i64: 2000, 128>}]} {
    %get3A = arith.constant 0 : index
    %get3A_0 = arith.constant 0 : index
    %get3A_1 = vector.load %arg1[%get3A, %get3A_0] : memref<2000x128xf32, #tpu.memory_space<vmem>>, vector<2000x128xf32>
    %get3A_2 = arith.constant 0 : index
    %get3A_3 = arith.constant 0 : index
    %get3A_4 = vector.load %arg2[%get3A_2, %get3A_3] : memref<128x128xf32, #tpu.memory_space<vmem>>, vector<128x128xf32>
    %dot_general3A = arith.constant dense<0.000000e+00> : vector<2000x128xf32>
    %dot_general3A_5 = tpu.matmul %get3A_1, %get3A_4, %dot_general3A {dimension_numbers = #tpu.dot_dimension_numbers<[1], [1], [0], [0], [0, 0, 1, 0], [], []>, transpose_lhs_hint = false} : vector<2000x128xf32>, vector<128x128xf32>, vector<2000x128xf32> -> vector<2000x128xf32>
    %get3A_6 = arith.constant 0 : index
    %get3A_7 = arith.constant 0 : index
    %get3A_8 = vector.load %arg3[%get3A_6, %get3A_7] : memref<1x128xf32, #tpu.memory_space<vmem>>, vector<1x128xf32>
    %add3A = vector.broadcast %get3A_8 : vector<1x128xf32> to vector<2000x128xf32>
    %add3A_9 = arith.addf %dot_general3A_5, %add3A : vector<2000x128xf32>
    %max3A = arith.constant 0.000000e+00 : f32
    %max3A_10 = vector.broadcast %max3A : f32 to vector<2000x128xf32>
    %max3A_11 = arith.maximumf %add3A_9, %max3A_10 : vector<2000x128xf32>
    %swap3A = arith.constant 0 : index
    %swap3A_12 = arith.constant 0 : index
    %swap3A_13 = vector.load %arg4[%swap3A, %swap3A_12] : memref<2000x128xf32, #tpu.memory_space<vmem>>, vector<2000x128xf32>
    tpu.vector_store %arg4[%swap3A, %swap3A_12], %max3A_11 {strides = array<i32>} : memref<2000x128xf32, #tpu.memory_space<vmem>>, vector<2000x128xf32>,
    return
  }
  func.func @transform_0(%arg0: i32) -> (i32, i32) {
    %c0_i32 = arith.constant 0 : i32
    %c0_i32_0 = arith.constant 0 : i32
    return %arg0, %c0_i32 : i32, i32
  }
  func.func @transform_1(%arg0: i32) -> (i32, i32) {
    %c0_i32 = arith.constant 0 : i32
    %c0_i32_0 = arith.constant 0 : i32
    %c0_i32_1 = arith.constant 0 : i32
    return %c0_i32, %c0_i32_0 : i32, i32
  }
  func.func @transform_2(%arg0: i32) -> (i32, i32) {
    %c0_i32 = arith.constant 0 : i32
    %c0_i32_0 = arith.constant 0 : i32
    %c0_i32_1 = arith.constant 0 : i32
    return %c0_i32, %c0_i32_0 : i32, i32
  }
  func.func @transform_3(%arg0: i32) -> (i32, i32) {
    %c0_i32 = arith.constant 0 : i32
    %c0_i32_0 = arith.constant 0 : i32
    return %arg0, %c0_i32 : i32, i32
  }
}

module attributes {stable_mosaic.version = 14 : i64} {
  func.func @body(%arg0: i32, %arg1: memref<2000x128xf32, #tpu.memory_space<vmem>>, %arg2: memref<2x2000x128xf32, #tpu.memory_space<vmem>>, %arg3: memref<2x2000x128xf32, #tpu.memory_space<vmem>>, %arg4: memref<128x128xf32, #tpu.memory_space<vmem>>, %arg5: memref<1x128xf32, #tpu.memory_space<vmem>>, %arg6: memref<128x128xf32, #tpu.memory_space<vmem>>, %arg7: memref<1x128xf32, #tpu.memory_space<vmem>>, %arg8: memref<128x128xf32, #tpu.memory_space<vmem>>, %arg9: memref<1x128xf32, #tpu.memory_space<vmem>>, %arg10: memref<2000x128xf32, #tpu.memory_space<vmem>>) attributes {dimension_semantics = [#tpu.dimension_semantics<arbitrary>], iteration_bounds = array<i64: 5>, scalar_prefetch = 0 : i64, scratch_operands = 0 : i64, tpu.core_type = #tpu.core_type<tc>, window_params = [{transform_indices = @transform_0, window_bounds = array<i64: 2000, 128>}, {transform_indices = @transform_1, window_bounds = array<i64: 2, 2000, 128>}, {transform_indices = @transform_2, window_bounds = array<i64: 2, 2000, 128>}, {pipeline_mode = #tpu.pipeline_mode<synchronous>, transform_indices = @transform_3, window_bounds = array<i64: 128, 128>}, {pipeline_mode = #tpu.pipeline_mode<synchronous>, transform_indices = @transform_4, window_bounds = array<i64: 1, 128>}, {pipeline_mode = #tpu.pipeline_mode<synchronous>, transform_indices = @transform_5, window_bounds = array<i64: 128, 128>}, {pipeline_mode = #tpu.pipeline_mode<synchronous>, transform_indices = @transform_6, window_bounds = array<i64: 1, 128>}, {pipeline_mode = #tpu.pipeline_mode<synchronous>, transform_indices = @transform_7, window_bounds = array<i64: 128, 128>}, {pipeline_mode = #tpu.pipeline_mode<synchronous>, transform_indices = @transform_8, window_bounds = array<i64: 1, 128>}, {transform_indices = @transform_9, window_bounds = array<i64: 2000, 128>}]} {
    %get3A = arith.constant 0 : index
    %get3A_0 = arith.constant 0 : index
    %get3A_1 = arith.constant 0 : index
    %get3A_2 = vector.load %arg2[%get3A, %get3A_0, %get3A_1] : memref<2x2000x128xf32, #tpu.memory_space<vmem>>, vector<2x2000x128xf32>
    %get3A_3 = arith.constant 0 : index
    %get3A_4 = arith.constant 0 : index
    %get3A_5 = arith.constant 0 : index
    %get3A_6 = vector.load %arg3[%get3A_3, %get3A_4, %get3A_5] : memref<2x2000x128xf32, #tpu.memory_space<vmem>>, vector<2x2000x128xf32>
    %slice3A = vector.extract_strided_slice %get3A_2 {offsets = [0, 0, 0], sizes = [1, 2000, 128], strides = [1, 1, 1]} : vector<2x2000x128xf32> to vector<1x2000x128xf32>
    %squeeze3A = vector.shape_cast %slice3A : vector<1x2000x128xf32> to vector<2000x128xf32>
    %slice3A_7 = vector.extract_strided_slice %get3A_2 {offsets = [1, 0, 0], sizes = [1, 2000, 128], strides = [1, 1, 1]} : vector<2x2000x128xf32> to vector<1x2000x128xf32>
    %squeeze3A_8 = vector.shape_cast %slice3A_7 : vector<1x2000x128xf32> to vector<2000x128xf32>
    %add3A = arith.addf %squeeze3A, %squeeze3A_8 : vector<2000x128xf32>
    %slice3A_9 = vector.extract_strided_slice %get3A_6 {offsets = [0, 0, 0], sizes = [1, 2000, 1], strides = [1, 1, 1]} : vector<2x2000x128xf32> to vector<1x2000x1xf32>
    %squeeze3A_10 = vector.shape_cast %slice3A_9 : vector<1x2000x1xf32> to vector<2000x1xf32>
    %slice3A_11 = vector.extract_strided_slice %get3A_6 {offsets = [1, 0, 0], sizes = [1, 2000, 1], strides = [1, 1, 1]} : vector<2x2000x128xf32> to vector<1x2000x1xf32>
    %squeeze3A_12 = vector.shape_cast %slice3A_11 : vector<1x2000x1xf32> to vector<2000x1xf32>
    %add3A_13 = arith.addf %squeeze3A_10, %squeeze3A_12 : vector<2000x1xf32>
    %max3A = arith.constant 1.000000e+00 : f32
    %max3A_14 = vector.broadcast %max3A : f32 to vector<2000x1xf32>
    %max3A_15 = arith.maximumf %add3A_13, %max3A_14 : vector<2000x1xf32>
    %div3A = vector.broadcast %max3A_15 : vector<2000x1xf32> to vector<2000x128xf32>
    %div3A_16 = arith.divf %add3A, %div3A : vector<2000x128xf32>
    %get3A_17 = arith.constant 0 : index
    %get3A_18 = arith.constant 0 : index
    %get3A_19 = vector.load %arg1[%get3A_17, %get3A_18] : memref<2000x128xf32, #tpu.memory_space<vmem>>, vector<2000x128xf32>
    %get3A_20 = arith.constant 0 : index
    %get3A_21 = arith.constant 0 : index
    %get3A_22 = vector.load %arg4[%get3A_20, %get3A_21] : memref<128x128xf32, #tpu.memory_space<vmem>>, vector<128x128xf32>
    %dot_general3A = arith.constant dense<0.000000e+00> : vector<2000x128xf32>
    %dot_general3A_23 = tpu.matmul %get3A_19, %get3A_22, %dot_general3A {dimension_numbers = #tpu.dot_dimension_numbers<[1], [1], [0], [0], [0, 0, 1, 0], [], []>, transpose_lhs_hint = false} : vector<2000x128xf32>, vector<128x128xf32>, vector<2000x128xf32> -> vector<2000x128xf32>
    %get3A_24 = arith.constant 0 : index
    %get3A_25 = arith.constant 0 : index
    %get3A_26 = vector.load %arg5[%get3A_24, %get3A_25] : memref<1x128xf32, #tpu.memory_space<vmem>>, vector<1x128xf32>
    %add3A_27 = vector.broadcast %get3A_26 : vector<1x128xf32> to vector<2000x128xf32>
    %add3A_28 = arith.addf %dot_general3A_23, %add3A_27 : vector<2000x128xf32>
    %add3A_29 = arith.addf %add3A_28, %div3A_16 : vector<2000x128xf32>
    %max3A_30 = arith.constant 0.000000e+00 : f32
    %max3A_31 = vector.broadcast %max3A_30 : f32 to vector<2000x128xf32>
    %max3A_32 = arith.maximumf %add3A_29, %max3A_31 : vector<2000x128xf32>
    %mul3A = arith.mulf %max3A_32, %max3A_32 : vector<2000x128xf32>
    %reduce_sum3A = arith.constant dense<0.000000e+00> : vector<2000xf32>
    %reduce_sum3A_33 = vector.multi_reduction <add>, %mul3A, %reduce_sum3A [1] : vector<2000x128xf32> to vector<2000xf32>
    %broadcast_in_dim3A = vector.shape_cast %reduce_sum3A_33 : vector<2000xf32> to vector<2000x1xf32>
    %sqrt3A = math.sqrt %broadcast_in_dim3A : vector<2000x1xf32>
    %max3A_34 = arith.constant 9.99999996E-13 : f32
    %max3A_35 = vector.broadcast %max3A_34 : f32 to vector<2000x1xf32>
    %max3A_36 = arith.maximumf %sqrt3A, %max3A_35 : vector<2000x1xf32>
    %div3A_37 = vector.broadcast %max3A_36 : vector<2000x1xf32> to vector<2000x128xf32>
    %div3A_38 = arith.divf %max3A_32, %div3A_37 : vector<2000x128xf32>
    %max3A_39 = arith.constant 0.000000e+00 : f32
    %max3A_40 = vector.broadcast %max3A_39 : f32 to vector<2000x128xf32>
    %max3A_41 = arith.maximumf %div3A_38, %max3A_40 : vector<2000x128xf32>
    %get3A_42 = arith.constant 0 : index
    %get3A_43 = arith.constant 0 : index
    %get3A_44 = vector.load %arg6[%get3A_42, %get3A_43] : memref<128x128xf32, #tpu.memory_space<vmem>>, vector<128x128xf32>
    %dot_general3A_45 = arith.constant dense<0.000000e+00> : vector<2000x128xf32>
    %dot_general3A_46 = tpu.matmul %max3A_41, %get3A_44, %dot_general3A_45 {dimension_numbers = #tpu.dot_dimension_numbers<[1], [1], [0], [0], [0, 0, 1, 0], [], []>, transpose_lhs_hint = false} : vector<2000x128xf32>, vector<128x128xf32>, vector<2000x128xf32> -> vector<2000x128xf32>
    %get3A_47 = arith.constant 0 : index
    %get3A_48 = arith.constant 0 : index
    %get3A_49 = vector.load %arg7[%get3A_47, %get3A_48] : memref<1x128xf32, #tpu.memory_space<vmem>>, vector<1x128xf32>
    %add3A_50 = vector.broadcast %get3A_49 : vector<1x128xf32> to vector<2000x128xf32>
    %add3A_51 = arith.addf %dot_general3A_46, %add3A_50 : vector<2000x128xf32>
    %get3A_52 = arith.constant 0 : index
    %get3A_53 = arith.constant 0 : index
    %get3A_54 = vector.load %arg8[%get3A_52, %get3A_53] : memref<128x128xf32, #tpu.memory_space<vmem>>, vector<128x128xf32>
    %dot_general3A_55 = arith.constant dense<0.000000e+00> : vector<2000x128xf32>
    %dot_general3A_56 = tpu.matmul %add3A_51, %get3A_54, %dot_general3A_55 {dimension_numbers = #tpu.dot_dimension_numbers<[1], [1], [0], [0], [0, 0, 1, 0], [], []>, transpose_lhs_hint = false} : vector<2000x128xf32>, vector<128x128xf32>, vector<2000x128xf32> -> vector<2000x128xf32>
    %get3A_57 = arith.constant 0 : index
    %get3A_58 = arith.constant 0 : index
    %get3A_59 = vector.load %arg9[%get3A_57, %get3A_58] : memref<1x128xf32, #tpu.memory_space<vmem>>, vector<1x128xf32>
    %add3A_60 = vector.broadcast %get3A_59 : vector<1x128xf32> to vector<2000x128xf32>
    %add3A_61 = arith.addf %dot_general3A_56, %add3A_60 : vector<2000x128xf32>
    %reduce_max3A = arith.constant dense<0xFF800000> : vector<2000xf32>
    %reduce_max3A_62 = vector.multi_reduction <maximumf>, %add3A_61, %reduce_max3A [1] : vector<2000x128xf32> to vector<2000xf32>
    %broadcast_in_dim3A_63 = vector.shape_cast %reduce_max3A_62 : vector<2000xf32> to vector<2000x1xf32>
    %sub3A = vector.broadcast %broadcast_in_dim3A_63 : vector<2000x1xf32> to vector<2000x128xf32>
    %sub3A_64 = arith.subf %add3A_61, %sub3A : vector<2000x128xf32>
    %exp3A = math.exp %sub3A_64 : vector<2000x128xf32>
    %reduce_sum3A_65 = arith.constant dense<0.000000e+00> : vector<2000xf32>
    %reduce_sum3A_66 = vector.multi_reduction <add>, %exp3A, %reduce_sum3A_65 [1] : vector<2000x128xf32> to vector<2000xf32>
    %broadcast_in_dim3A_67 = vector.shape_cast %reduce_sum3A_66 : vector<2000xf32> to vector<2000x1xf32>
    %log3A = math.log %broadcast_in_dim3A_67 : vector<2000x1xf32>
    %sub3A_68 = vector.broadcast %log3A : vector<2000x1xf32> to vector<2000x128xf32>
    %sub3A_69 = arith.subf %sub3A_64, %sub3A_68 : vector<2000x128xf32>
    %swap3A = arith.constant 0 : index
    %swap3A_70 = arith.constant 0 : index
    %swap3A_71 = vector.load %arg10[%swap3A, %swap3A_70] : memref<2000x128xf32, #tpu.memory_space<vmem>>, vector<2000x128xf32>
    tpu.vector_store %arg10[%swap3A, %swap3A_70], %sub3A_69 {strides = array<i32>} : memref<2000x128xf32, #tpu.memory_space<vmem>>, vector<2000x128xf32>,
    return
  }
  func.func @transform_0(%arg0: i32) -> (i32, i32) {
    %c0_i32 = arith.constant 0 : i32
    %c0_i32_0 = arith.constant 0 : i32
    return %arg0, %c0_i32 : i32, i32
  }
  func.func @transform_1(%arg0: i32) -> (i32, i32, i32) {
    %c0_i32 = arith.constant 0 : i32
    %c0_i32_0 = arith.constant 0 : i32
    %c0_i32_1 = arith.constant 0 : i32
    return %c0_i32, %arg0, %c0_i32_0 : i32, i32, i32
  }
  func.func @transform_2(%arg0: i32) -> (i32, i32, i32) {
    %c0_i32 = arith.constant 0 : i32
    %c0_i32_0 = arith.constant 0 : i32
    %c0_i32_1 = arith.constant 0 : i32
    return %c0_i32, %arg0, %c0_i32_0 : i32, i32, i32
  }
  func.func @transform_3(%arg0: i32) -> (i32, i32) {
    %c0_i32 = arith.constant 0 : i32
    %c0_i32_0 = arith.constant 0 : i32
    %c0_i32_1 = arith.constant 0 : i32
    return %c0_i32, %c0_i32_0 : i32, i32
  }
  func.func @transform_4(%arg0: i32) -> (i32, i32) {
    %c0_i32 = arith.constant 0 : i32
    %c0_i32_0 = arith.constant 0 : i32
    %c0_i32_1 = arith.constant 0 : i32
    return %c0_i32, %c0_i32_0 : i32, i32
  }
  func.func @transform_5(%arg0: i32) -> (i32, i32) {
    %c0_i32 = arith.constant 0 : i32
    %c0_i32_0 = arith.constant 0 : i32
    %c0_i32_1 = arith.constant 0 : i32
    return %c0_i32, %c0_i32_0 : i32, i32
  }
  func.func @transform_6(%arg0: i32) -> (i32, i32) {
    %c0_i32 = arith.constant 0 : i32
    %c0_i32_0 = arith.constant 0 : i32
    %c0_i32_1 = arith.constant 0 : i32
    return %c0_i32, %c0_i32_0 : i32, i32
  }
  func.func @transform_7(%arg0: i32) -> (i32, i32) {
    %c0_i32 = arith.constant 0 : i32
    %c0_i32_0 = arith.constant 0 : i32
    %c0_i32_1 = arith.constant 0 : i32
    return %c0_i32, %c0_i32_0 : i32, i32
  }
  func.func @transform_8(%arg0: i32) -> (i32, i32) {
    %c0_i32 = arith.constant 0 : i32
    %c0_i32_0 = arith.constant 0 : i32
    %c0_i32_1 = arith.constant 0 : i32
    return %c0_i32, %c0_i32_0 : i32, i32
  }
  func.func @transform_9(%arg0: i32) -> (i32, i32) {
    %c0_i32 = arith.constant 0 : i32
    %c0_i32_0 = arith.constant 0 : i32
    return %arg0, %c0_i32 : i32, i32
  }
}

module attributes {stable_mosaic.version = 14 : i64} {
  func.func @body(%arg0: i32, %arg1: memref<2000x128xf32, #tpu.memory_space<vmem>>, %arg2: memref<2x2000x128xf32, #tpu.memory_space<vmem>>, %arg3: memref<2x2000x128xf32, #tpu.memory_space<vmem>>, %arg4: memref<128x128xf32, #tpu.memory_space<vmem>>, %arg5: memref<1x128xf32, #tpu.memory_space<vmem>>, %arg6: memref<128x128xf32, #tpu.memory_space<vmem>>, %arg7: memref<1x128xf32, #tpu.memory_space<vmem>>, %arg8: memref<2000x128xf32, #tpu.memory_space<vmem>>, %arg9: memref<2000x128xf32, #tpu.memory_space<vmem>>) attributes {dimension_semantics = [#tpu.dimension_semantics<arbitrary>], iteration_bounds = array<i64: 5>, scalar_prefetch = 0 : i64, scratch_operands = 0 : i64, tpu.core_type = #tpu.core_type<tc>, window_params = [{transform_indices = @transform_0, window_bounds = array<i64: 2000, 128>}, {transform_indices = @transform_1, window_bounds = array<i64: 2, 2000, 128>}, {transform_indices = @transform_2, window_bounds = array<i64: 2, 2000, 128>}, {pipeline_mode = #tpu.pipeline_mode<synchronous>, transform_indices = @transform_3, window_bounds = array<i64: 128, 128>}, {pipeline_mode = #tpu.pipeline_mode<synchronous>, transform_indices = @transform_4, window_bounds = array<i64: 1, 128>}, {pipeline_mode = #tpu.pipeline_mode<synchronous>, transform_indices = @transform_5, window_bounds = array<i64: 128, 128>}, {pipeline_mode = #tpu.pipeline_mode<synchronous>, transform_indices = @transform_6, window_bounds = array<i64: 1, 128>}, {transform_indices = @transform_7, window_bounds = array<i64: 2000, 128>}, {transform_indices = @transform_8, window_bounds = array<i64: 2000, 128>}]} {
    %get3A = arith.constant 0 : index
    %get3A_0 = arith.constant 0 : index
    %get3A_1 = arith.constant 0 : index
    %get3A_2 = vector.load %arg2[%get3A, %get3A_0, %get3A_1] : memref<2x2000x128xf32, #tpu.memory_space<vmem>>, vector<2x2000x128xf32>
    %get3A_3 = arith.constant 0 : index
    %get3A_4 = arith.constant 0 : index
    %get3A_5 = arith.constant 0 : index
    %get3A_6 = vector.load %arg3[%get3A_3, %get3A_4, %get3A_5] : memref<2x2000x128xf32, #tpu.memory_space<vmem>>, vector<2x2000x128xf32>
    %slice3A = vector.extract_strided_slice %get3A_2 {offsets = [0, 0, 0], sizes = [1, 2000, 128], strides = [1, 1, 1]} : vector<2x2000x128xf32> to vector<1x2000x128xf32>
    %squeeze3A = vector.shape_cast %slice3A : vector<1x2000x128xf32> to vector<2000x128xf32>
    %slice3A_7 = vector.extract_strided_slice %get3A_2 {offsets = [1, 0, 0], sizes = [1, 2000, 128], strides = [1, 1, 1]} : vector<2x2000x128xf32> to vector<1x2000x128xf32>
    %squeeze3A_8 = vector.shape_cast %slice3A_7 : vector<1x2000x128xf32> to vector<2000x128xf32>
    %add3A = arith.addf %squeeze3A, %squeeze3A_8 : vector<2000x128xf32>
    %slice3A_9 = vector.extract_strided_slice %get3A_6 {offsets = [0, 0, 0], sizes = [1, 2000, 1], strides = [1, 1, 1]} : vector<2x2000x128xf32> to vector<1x2000x1xf32>
    %squeeze3A_10 = vector.shape_cast %slice3A_9 : vector<1x2000x1xf32> to vector<2000x1xf32>
    %slice3A_11 = vector.extract_strided_slice %get3A_6 {offsets = [1, 0, 0], sizes = [1, 2000, 1], strides = [1, 1, 1]} : vector<2x2000x128xf32> to vector<1x2000x1xf32>
    %squeeze3A_12 = vector.shape_cast %slice3A_11 : vector<1x2000x1xf32> to vector<2000x1xf32>
    %add3A_13 = arith.addf %squeeze3A_10, %squeeze3A_12 : vector<2000x1xf32>
    %max3A = arith.constant 1.000000e+00 : f32
    %max3A_14 = vector.broadcast %max3A : f32 to vector<2000x1xf32>
    %max3A_15 = arith.maximumf %add3A_13, %max3A_14 : vector<2000x1xf32>
    %div3A = vector.broadcast %max3A_15 : vector<2000x1xf32> to vector<2000x128xf32>
    %div3A_16 = arith.divf %add3A, %div3A : vector<2000x128xf32>
    %get3A_17 = arith.constant 0 : index
    %get3A_18 = arith.constant 0 : index
    %get3A_19 = vector.load %arg1[%get3A_17, %get3A_18] : memref<2000x128xf32, #tpu.memory_space<vmem>>, vector<2000x128xf32>
    %get3A_20 = arith.constant 0 : index
    %get3A_21 = arith.constant 0 : index
    %get3A_22 = vector.load %arg4[%get3A_20, %get3A_21] : memref<128x128xf32, #tpu.memory_space<vmem>>, vector<128x128xf32>
    %dot_general3A = arith.constant dense<0.000000e+00> : vector<2000x128xf32>
    %dot_general3A_23 = tpu.matmul %get3A_19, %get3A_22, %dot_general3A {dimension_numbers = #tpu.dot_dimension_numbers<[1], [1], [0], [0], [0, 0, 1, 0], [], []>, transpose_lhs_hint = false} : vector<2000x128xf32>, vector<128x128xf32>, vector<2000x128xf32> -> vector<2000x128xf32>
    %get3A_24 = arith.constant 0 : index
    %get3A_25 = arith.constant 0 : index
    %get3A_26 = vector.load %arg5[%get3A_24, %get3A_25] : memref<1x128xf32, #tpu.memory_space<vmem>>, vector<1x128xf32>
    %add3A_27 = vector.broadcast %get3A_26 : vector<1x128xf32> to vector<2000x128xf32>
    %add3A_28 = arith.addf %dot_general3A_23, %add3A_27 : vector<2000x128xf32>
    %add3A_29 = arith.addf %add3A_28, %div3A_16 : vector<2000x128xf32>
    %max3A_30 = arith.constant 0.000000e+00 : f32
    %max3A_31 = vector.broadcast %max3A_30 : f32 to vector<2000x128xf32>
    %max3A_32 = arith.maximumf %add3A_29, %max3A_31 : vector<2000x128xf32>
    %mul3A = arith.mulf %max3A_32, %max3A_32 : vector<2000x128xf32>
    %reduce_sum3A = arith.constant dense<0.000000e+00> : vector<2000xf32>
    %reduce_sum3A_33 = vector.multi_reduction <add>, %mul3A, %reduce_sum3A [1] : vector<2000x128xf32> to vector<2000xf32>
    %broadcast_in_dim3A = vector.shape_cast %reduce_sum3A_33 : vector<2000xf32> to vector<2000x1xf32>
    %sqrt3A = math.sqrt %broadcast_in_dim3A : vector<2000x1xf32>
    %max3A_34 = arith.constant 9.99999996E-13 : f32
    %max3A_35 = vector.broadcast %max3A_34 : f32 to vector<2000x1xf32>
    %max3A_36 = arith.maximumf %sqrt3A, %max3A_35 : vector<2000x1xf32>
    %div3A_37 = vector.broadcast %max3A_36 : vector<2000x1xf32> to vector<2000x128xf32>
    %div3A_38 = arith.divf %max3A_32, %div3A_37 : vector<2000x128xf32>
    %max3A_39 = arith.constant 0.000000e+00 : f32
    %max3A_40 = vector.broadcast %max3A_39 : f32 to vector<2000x128xf32>
    %max3A_41 = arith.maximumf %div3A_38, %max3A_40 : vector<2000x128xf32>
    %swap3A = arith.constant 0 : index
    %swap3A_42 = arith.constant 0 : index
    %swap3A_43 = vector.load %arg8[%swap3A, %swap3A_42] : memref<2000x128xf32, #tpu.memory_space<vmem>>, vector<2000x128xf32>
    tpu.vector_store %arg8[%swap3A, %swap3A_42], %max3A_41 {strides = array<i32>} : memref<2000x128xf32, #tpu.memory_space<vmem>>, vector<2000x128xf32>,
    %get3A_44 = arith.constant 0 : index
    %get3A_45 = arith.constant 0 : index
    %get3A_46 = vector.load %arg6[%get3A_44, %get3A_45] : memref<128x128xf32, #tpu.memory_space<vmem>>, vector<128x128xf32>
    %dot_general3A_47 = arith.constant dense<0.000000e+00> : vector<2000x128xf32>
    %dot_general3A_48 = tpu.matmul %max3A_41, %get3A_46, %dot_general3A_47 {dimension_numbers = #tpu.dot_dimension_numbers<[1], [1], [0], [0], [0, 0, 1, 0], [], []>, transpose_lhs_hint = false} : vector<2000x128xf32>, vector<128x128xf32>, vector<2000x128xf32> -> vector<2000x128xf32>
    %get3A_49 = arith.constant 0 : index
    %get3A_50 = arith.constant 0 : index
    %get3A_51 = vector.load %arg7[%get3A_49, %get3A_50] : memref<1x128xf32, #tpu.memory_space<vmem>>, vector<1x128xf32>
    %add3A_52 = vector.broadcast %get3A_51 : vector<1x128xf32> to vector<2000x128xf32>
    %add3A_53 = arith.addf %dot_general3A_48, %add3A_52 : vector<2000x128xf32>
    %max3A_54 = arith.constant 0.000000e+00 : f32
    %max3A_55 = vector.broadcast %max3A_54 : f32 to vector<2000x128xf32>
    %max3A_56 = arith.maximumf %add3A_53, %max3A_55 : vector<2000x128xf32>
    %swap3A_57 = arith.constant 0 : index
    %swap3A_58 = arith.constant 0 : index
    %swap3A_59 = vector.load %arg9[%swap3A_57, %swap3A_58] : memref<2000x128xf32, #tpu.memory_space<vmem>>, vector<2000x128xf32>
    tpu.vector_store %arg9[%swap3A_57, %swap3A_58], %max3A_56 {strides = array<i32>} : memref<2000x128xf32, #tpu.memory_space<vmem>>, vector<2000x128xf32>,
    return
  }
  func.func @transform_0(%arg0: i32) -> (i32, i32) {
    %c0_i32 = arith.constant 0 : i32
    %c0_i32_0 = arith.constant 0 : i32
    return %arg0, %c0_i32 : i32, i32
  }
  func.func @transform_1(%arg0: i32) -> (i32, i32, i32) {
    %c0_i32 = arith.constant 0 : i32
    %c0_i32_0 = arith.constant 0 : i32
    %c0_i32_1 = arith.constant 0 : i32
    return %c0_i32, %arg0, %c0_i32_0 : i32, i32, i32
  }
  func.func @transform_2(%arg0: i32) -> (i32, i32, i32) {
    %c0_i32 = arith.constant 0 : i32
    %c0_i32_0 = arith.constant 0 : i32
    %c0_i32_1 = arith.constant 0 : i32
    return %c0_i32, %arg0, %c0_i32_0 : i32, i32, i32
  }
  func.func @transform_3(%arg0: i32) -> (i32, i32) {
    %c0_i32 = arith.constant 0 : i32
    %c0_i32_0 = arith.constant 0 : i32
    %c0_i32_1 = arith.constant 0 : i32
    return %c0_i32, %c0_i32_0 : i32, i32
  }
  func.func @transform_4(%arg0: i32) -> (i32, i32) {
    %c0_i32 = arith.constant 0 : i32
    %c0_i32_0 = arith.constant 0 : i32
    %c0_i32_1 = arith.constant 0 : i32
    return %c0_i32, %c0_i32_0 : i32, i32
  }
  func.func @transform_5(%arg0: i32) -> (i32, i32) {
    %c0_i32 = arith.constant 0 : i32
    %c0_i32_0 = arith.constant 0 : i32
    %c0_i32_1 = arith.constant 0 : i32
    return %c0_i32, %c0_i32_0 : i32, i32
  }
  func.func @transform_6(%arg0: i32) -> (i32, i32) {
    %c0_i32 = arith.constant 0 : i32
    %c0_i32_0 = arith.constant 0 : i32
    %c0_i32_1 = arith.constant 0 : i32
    return %c0_i32, %c0_i32_0 : i32, i32
  }
  func.func @transform_7(%arg0: i32) -> (i32, i32) {
    %c0_i32 = arith.constant 0 : i32
    %c0_i32_0 = arith.constant 0 : i32
    return %arg0, %c0_i32 : i32, i32
  }
  func.func @transform_8(%arg0: i32) -> (i32, i32) {
    %c0_i32 = arith.constant 0 : i32
    %c0_i32_0 = arith.constant 0 : i32
    return %arg0, %c0_i32 : i32, i32
  }
}

</mosaic_0001>

<sc_bundles>
// kernel: kernel.11.cloned.1.call-start
scs
__scs_entry_jumppad:
0x0: {  	(pc) =	sbr.rel $0x88, $3  }
0x1: {  	(tag) =	ssettag $0x0;
	lr =	simm.s32 $0x1  }
0x2: {  	[smem:$0x3F93] =	sst lr;
	_ =	strace $0xD0000000  }
0x3: {  	_ = 	snop  }
0x4: {  	_ = 	snop  }
0x5: {  	_ = 	snop  }
0x6: {  	_ = 	snop  }
0x7: {  	_ = 	snop  }
__scs_overlays_trampoline_lowered:
0x8: {  	[smem:$0x3FA2] =	sst s0  }
0x9: {  	[smem:$0x3FA3] =	sst s1  }
0xa: {  	[smem:$0x3FA4] =	sst s2  }
0xb: {  	[smem:$0x3FA5] =	sst s3  }
0xc: {  	[smem:$0x3FA6] =	sst s4  }
0xd: {  	[smem:$0x3FA7] =	sst s5  }
0xe: {  	[smem:$0x3FA8] =	sst s6  }
0xf: {  	[smem:$0x3FA9] =	sst s7  }
0x10: {  	[smem:$0x3FAA] =	sst s8  }
0x11: {  	[smem:$0x3FAB] =	sst s9;
	s0 =	simm.s32 @!p0 $0x0  }
0x12: {  	s1 =	sld [smem:$0x3F91];
	s0 =	simm.s32 @p0 $0x1  }
0x13: {  	[smem:$0x3FAC] =	sst s0;
	s0 =	simm.s32 @!p1 $0x0  }
0x14: {  	s2 =	sld [smem:$0x3F90];
	s0 =	simm.s32 @p1 $0x1  }
0x15: {  	[smem:$0x3FAD] =	sst s0;
	s0 =	simm.s32 @!p2 $0x0  }
0x16: {  	s3 =	sld [smem:$0x3FDB];
	s0 =	simm.s32 @p2 $0x1  }
0x17: {  	s4 =	simm.s32 $0x1BF5;
	[smem:$0x3FAF] =	sst s0  }
0x18: {  	s0 =	sld [smem:$0x3F92];
	_ =	swait.ge [sflag:s4], $0x0  }
0x19: {  	s7 =	sld [smem:$0x3F93]  }
0x1a: {  	s8 =	sadd.s32 $0xFFFFE003, lr  }
0x1b: {  	s9 =	sadd.s32 $0xFFFFFEF7, lr;
	s5 =	simm.s32 $0xFFFFFFFF;
	p2 =	slt.u32 s8, $0xFFFFF086  }
0x1c: {  	p1 =	slt.u32 s9, $0xF7A;
	s5 =	simm.s32 @!p2 $0x0  }
0x1d: {  	s5 =	simm.s32 @p1 $0x1;
	p0 =	seq.s32 s7, s2  }
0x1e: {  	s7 =	smul.u32 @!p0 $0xF7A, s2;
	p2 =	seq.s32 @!p0 s5, $0x0  }
0x1f: {  	s9 =	smul.u32 $0xF7A, s1;
	s8 =	simm.s32 @!p0 $0x1BF5;
	p2 =	por !p2, p0  }
0x20: {  	[sflag:s8] =	ssyncset.s32 @!p0 $0xFFFFF086;
	s6 =	sadd.s32 @!p0 s3, s7;
	s7 =	simm.s32 @!p0 $0x108  }
0x21: {  	s3 =	sadd.s32 s3, s9;
	s6 =	sadd.s32 @!p0 $0x88, s6;
	s7 =	simm.s32 @p2 $0x1082  }
0x22: {  	[simem:s7], [sflag:s8] =	dma.local @!p0 [hbm:s6], $0xF7A  }
0x23: {  	s9 =	sor.u32 $0xD0000000, s2;
	s6 =	simm.s32 $0x108;
	_ =	swait.ge @!p0 [sflag:s8], $0x0  }
0x24: {  	s3 =	sadd.s32 $0x88, s3;
	s6 =	simm.s32 @!p1 $0x1082;
	[sflag:s4] =	ssyncset.s32 $0xFFFFF086  }
0x25: {  	[simem:s6], [sflag:s4] =	dma.local [hbm:s3], $0xF7A  }
0x26: {  	[smem:$0x3F93] =	sst s1;
	(tag) =	ssettag s2;
	_ =	strace s9  }
0x27: {  	s1 =	sld [smem:$0x3FA3]  }
0x28: {  	s2 =	sld [smem:$0x3FA4]  }
0x29: {  	s4 =	sld [smem:$0x3FA6]  }
0x2a: {  	p0 =	seq.s32 s5, $0x0;
	s5 =	sld [smem:$0x3FA7]  }
0x2b: {  	s6 =	sld [smem:$0x3FA8]  }
0x2c: {  	s7 =	sld [smem:$0x3FA9]  }
0x2d: {  	s3 =	simm.s32 $0x108;
	s8 =	sld [smem:$0x3FAA]  }
0x2e: {  	s3 =	simm.s32 @!p0 $0x1082;
	s9 =	sld [smem:$0x3FAB]  }
0x2f: {  	lr =	sadd.s32 s0, s3;
	s0 =	sld [smem:$0x3FA2]  }
0x30: {  	s3 =	sld [smem:$0x3FA5]  }
0x31: {  	[smem:$0x3FAE] =	sst s10  }
0x32: {  	s10 =	sld [smem:$0x3FAC];
	_ =	sdelay $0x3  }
0x33: {  	p0 =	seq.s32 s10, $0x1;
	s10 =	sld [smem:$0x3FAE];
	_ =	sdelay $0x3  }
0x34: {  	[smem:$0x3FAE] =	sst s10  }
0x35: {  	s10 =	sld [smem:$0x3FAD];
	_ =	sdelay $0x3  }
0x36: {  	p1 =	seq.s32 s10, $0x1;
	s10 =	sld [smem:$0x3FAE];
	_ =	sdelay $0x3  }
0x37: {  	[smem:$0x3FAE] =	sst s10  }
0x38: {  	s10 =	sld [smem:$0x3FAF]  }
0x39: {  	_ = 	snop;
	(pc) =	sbr.ind lr, $3  }
0x3a: {  	_ = 	snop  }
0x3b: {  	_ = 	snop  }
0x3c: {  	p2 =	seq.s32 s10, $0x1;
	s10 =	sld [smem:$0x3FAE]  }
0x3d: {  	_ =	shalt  }
0x3e: {  	_ =	shalt  }
0x3f: {  	_ =	shalt  }
0x40: {  	_ =	shalt  }
0x41: {  	_ =	shalt  }
0x42: {  	_ =	shalt  }
0x43: {  	_ =	shalt  }
0x44: {  	_ =	shalt  }
0x45: {  	_ =	shalt  }
0x46: {  	_ =	shalt  }
0x47: {  	_ =	shalt  }
0x48: {  	_ =	shalt  }
0x49: {  	_ =	shalt  }
0x4a: {  	_ =	shalt  }
0x4b: {  	_ =	shalt  }
0x4c: {  	_ =	shalt  }
0x4d: {  	_ =	shalt  }
0x4e: {  	_ =	shalt  }
0x4f: {  	_ =	shalt  }
0x50: {  	_ =	shalt  }
0x51: {  	_ =	shalt  }
0x52: {  	_ =	shalt  }
0x53: {  	_ =	shalt  }
0x54: {  	_ =	shalt  }
0x55: {  	_ =	shalt  }
0x56: {  	_ =	shalt  }
0x57: {  	_ =	shalt  }
0x58: {  	_ =	shalt  }
0x59: {  	_ =	shalt  }
0x5a: {  	_ =	shalt  }
0x5b: {  	_ =	shalt  }
0x5c: {  	_ =	shalt  }
0x5d: {  	_ =	shalt  }
0x5e: {  	_ =	shalt  }
0x5f: {  	_ =	shalt  }
0x60: {  	_ =	shalt  }
0x61: {  	_ =	shalt  }
0x62: {  	_ =	shalt  }
0x63: {  	_ =	shalt  }
0x64: {  	_ =	shalt  }
0x65: {  	_ =	shalt  }
0x66: {  	_ =	shalt  }
0x67: {  	_ =	shalt  }
0x68: {  	_ =	shalt  }
0x69: {  	_ =	shalt  }
0x6a: {  	_ =	shalt  }
0x6b: {  	_ =	shalt  }
0x6c: {  	_ =	shalt  }
0x6d: {  	_ =	shalt  }
0x6e: {  	_ =	shalt  }
0x6f: {  	_ =	shalt  }
0x70: {  	_ =	shalt  }
0x71: {  	_ =	shalt  }
0x72: {  	_ =	shalt  }
0x73: {  	_ =	shalt  }
0x74: {  	_ =	shalt  }
0x75: {  	_ =	shalt  }
0x76: {  	_ =	shalt  }
0x77: {  	_ =	shalt  }
0x78: {  	_ =	shalt  }
0x79: {  	_ =	shalt  }
0x7a: {  	_ =	shalt  }
0x7b: {  	_ =	shalt  }
0x7c: {  	_ =	shalt  }
0x7d: {  	_ =	shalt  }
0x7e: {  	_ =	shalt  }
0x7f: {  	_ =	shalt  }
0x80: {  	_ =	shalt  }
0x81: {  	_ =	shalt  }
0x82: {  	_ =	shalt  }
0x83: {  	_ =	shalt  }
0x84: {  	_ =	shalt  }
0x85: {  	_ =	shalt  }
0x86: {  	_ =	shalt  }
0x87: {  	_ =	shalt  }
.Lfunc_end0:
.L_simem_size_0:
called_computation.1_lowered:
.L_overlay_start_0:
0x88: {  	s2 =	sld [smem:$0x3FD9]  }
0x89: {  	s3 =	sld [smem:$0x3FFE];
	_ =	sdelay $0x1  }
0x8a: {  	s1 =	srdreg.scid  }
0x8b: {  	s0 =	sand.u32 $0x1, s1  }
0x8c: {  	s17 =	sshll.u32 s0, $0xA;
	s2 =	sadd.s32 s3, s2  }
0x8d: {  	s2 =	sadd.s32 s2, s17  }
0x8e: {  	[smem:$0x3FBA] =	sst s2  }
0x8f: {  	_ = 	snop  }
0x90: {  	s2 =	sld [smem:$0x3FD0];
	(tm) =	ssettm $0x1  }
0x91: {  	s18 =	sld [smem:$0x3FFB];
	_ =	sdelay $0x3  }
0x92: {  	_ =	strace s18  }
0x93: {  	s3 =	sld [smem:$0x3FFC];
	_ =	sdelay $0x3  }
0x94: {  	_ =	strace s3  }
0x95: {  	s3 =	sld [smem:$0x3FFD];
	_ =	sdelay $0x3  }
0x96: {  	_ =	strace s3  }
0x97: {  	_ =	strace $0x8FFFFFFF  }
0x98: {  	s19 =	sld [smem:$0x3FDB];
	_ =	sdelay $0x1  }
0x99: {  	s4 =	simm.s32 $_scs_section_size  }
0x9a: {  	s5 =	simm.s32 $_size__tile_overlayer_lowered;
	s6 =	simm.s32 $_tile_overlayer_lowered  }
0x9b: {  	s22 =	simm.s32 $0x1BFF;
	s21 =	sshll.u32 s6, $0x1;
	s3 =	sadd.s32 s4, s19  }
0x9c: {  	s7 =	simm.s32 $0x0;
	s20 =	sshll.u32 s5, $0x1;
	s5 =	sadd.s32 s21, s3  }
0x9d: {  	[timem:s7], [sflag:s22] =	dma.local [hbm:s5], s20  }
0x9e: {  	_ =	swait.ge [sflag:s22], s20  }
0x9f: {  	s4 =	ssub.s32 $0x0, s20;
	[sflag:s22] =	ssyncset.done $0x0  }
0xa0: {  	[sflag:s22] =	ssyncadd.s32 s4;
	_ =	sdelay $0x1  }
0xa1: {  	s23 =	simm.s32 $0x1B8B  }
0xa2: {  	_ =	swait.ge [sflag:s23], $0x1  }
0xa3: {  	[sflag:s23] =	ssyncset.done $0x0  }
0xa4: {  	s25 =	simm.s32 $0x1B8E;
	s24 =	sld [smem:$0x3FFE];
	[sflag:s23] =	ssyncadd.s32 $0xFFFFFFFF  }
0xa5: {  	s26 =	simm.s32 $execute0_lowered;
	[smem:$0x3FD2] =	sst s25  }
0xa6: {  	s5 =	sshll.u32 s26, $0x1;
	_ =	strace $0x80000046;
	[dreg:$0x1] =	wrdreg $0xFFFFFFFF  }
0xa7: {  	s28 =	simm.s32 $_size_execute0_lowered;
	s3 =	sadd.s32 s3, s5;
	[dreg:$0x0] =	wrdreg $0x0  }
0xa8: {  	s5 =	sshll.u32 s28, $0x1;
	[dreg:$0x2] =	wrdreg s3  }
0xa9: {  	[dreg:$0x3] =	wrdreg s5  }
0xaa: {  	[dreg:$0x4] =	wrdreg $0xC0  }
0xab: {  	_ =	task [dreg:s7], $0x5FFFF  }
0xac: {  	[dreg:$0x1] =	wrdreg $0xFFFFFFFF  }
0xad: {  	[dreg:$0x0] =	wrdreg $0x60  }
0xae: {  	[dreg:$0x2] =	wrdreg s24  }
0xaf: {  	[dreg:$0x3] =	wrdreg s2  }
0xb0: {  	[dreg:$0x4] =	wrdreg $0x90000  }
0xb1: {  	[dreg:$0x5] =	wrdreg $0xA  }
0xb2: {  	_ =	task.clear_ibuf [dreg:s7], $0x6FFFF;
	_ =	strace $0x90000046  }
0xb3: {  	s29 =	simm.s32 $0xA;
	_ =	strace $0x80000048  }
0xb4: {  	_ =	swait.ge [sflag:s29], $0x1  }
0xb5: {  	[sflag:s29] =	ssyncadd.s32 $0xFFFFFFFF  }
0xb6: {  	_ =	strace $0x90000048  }
0xb7: {  	_ =	sfence  }
0xb8: {  	s30 =	sld [smem:$0x0];
	_ =	sdelay $0x2  }
0xb9: {  	s31 =	sshll.u32 s1, $0xD;
	s1 =	sshrl.u32 s1, $0x2  }
0xba: {  	s3 =	sand.u32 $0x4000, s31;
	s1 =	sadd.s32 s1, s30  }
0xbb: {  	s0 =	sor.u32 s3, s0;
	s1 =	sshll.u32 s1, $0x11  }
0xbc: {  	s0 =	sor.u32 s1, s0  }
0xbd: {  	s0 =	sadd.s32 $0x8F2B, s0  }
0xbe: {  	[sflag:s0] =	ssyncadd.remote.s32 $0x1  }
0xbf: {  	_ =	sfence.sel $0xFFFF  }
0xc0: {  	[dreg:$0x0] =	wrdreg $0xFFFFFFFF;
	(pc) =	sbr.abs _section_cstart, $3  }
0xc1: {  	[dreg:$0x1] =	wrdreg $0xFFFFFFFF  }
0xc2: {  	_ =	task.clear_ibuf [dreg:s7], $0x2FFFF;
	_ =	strace $0x9FFFFFFF  }
0xc3: {  	(tm) =	ssettm $0x7FFFFFFF  }
tec
execute0_lowered:
.L_overlay_start_1:
0x0: {  	(tag) =	ssettag $0x1  }
0x1: {  	s6 =	rddreg [dreg:$0x0]  }
0x2: {  	s2 =	rddreg [dreg:$0x1]  }
0x3: {  	s0 =	srdreg.scid;
	s3 =	rddreg [dreg:$0x2];
	s4 =	simm.s32 $0x0  }
0x4: {  	s14 =	simm.s32 $0x5000;
	s15 =	simm.s32 $0x1;
	s5 =	sand.u32 $0x1, s0  }
0x5: {  	s16 =	simm.s32 $0x2800;
	s0 =	stileid.u32;
	s8 =	smul.u32 $0x13C000, s5  }
0x6: {  	s17 =	simm.s32 $0x80;
	s20 =	simm.s32 $0x0;
	s9 =	smul.u32 $0x13C00, s0  }
0x7: {  	[smem:$0x7FF] =	sst s4;
	s1 =	sshll.u32 s5, $0x4;
	s10 =	smul.u32 $0x4F000, s0  }
0x8: {  	s29 =	ssub.s32 $0x2, s5;
	s18 =	sshll.u32 s0, $0x6;
	s1 =	sor.u32 s0, s1  }
0x9: {  	s31 =	sshrl.u32 s29, $0x1;
	s18 =	sor.u32 $0x1C01, s18;
	s7 =	smul.u32 $0x500, s1  }
0xa: {  	s1 =	rddreg [dreg:$0x3];
	_ =	strace $0x80000047;
	s30 =	sshrl.u32 s10, $0x2  }
0xb: {  	s28 =	sadd.s32 s9, s8;
	s13 =	ssub.s32 s29, s31;
	s5 =	sadd.s32 s30, s3  }
0xc: {  	s13 =	smax.u32 s13, $0x1;
	s11 =	sadd.s32 s7, s6;
	s7 =	sshrl.u32 s28, $0x3  }
0xd: {  	s8 =	sadd.s32 $0xC000, s5;
	s9 =	sadd.s32 $0x10000, s5;
	s19 =	sshrl.u32 s5, $0x3  }
0xe: {  	s12 =	sadd.s32 s7, s6;
	s6 =	sadd.s32 $0x4000, s5;
	s7 =	sadd.s32 $0x8000, s5  }
0xf: {  	v0 =	vimm.f32 $0.0e+00;
	s10 =	sadd.s32 $0xCC00, s11;
	s11 =	sadd.s32 $0x2C00, s11;
	s12 =	sadd.s32 $0x16C00, s12  }
.LBB2_1:
0x10: {  	s21 =	sand.u32 $0xFE00, s4  }
0x11: {  	s22 =	sand.u32 $0x70, s4;
	s23 =	sshrl.u32 s21, $0x2  }
0x12: {  	s21 =	simm.s32 $0x40;
	s23 =	sor.u32 s22, s23;
	s22 =	simm.s32 $0x0  }
.LBB2_2:
0x13: {  	p0 =	sne.s32 s21, $0xFFC0  }
0x14: {  	[tilespmem:s23+$0x5000] =	vst v0;
	s22 =	sadd.s32 $0x10, s22;
	s23 =	smov.u32 s21;
	s21 =	sadd.s32 $0x40, s21  }
.Ltmp0:
0x15: {  	(pc) =	sbr.rel @p0 .LBB2_2-.Ltmp0, $4  }
0x16: {  	_ = 	snop  }
0x17: {  	s23 =	sand.u32 $0xFE00, s23  }
0x18: {  	s24 =	sand.u32 $0x70, s22;
	s23 =	sshrl.u32 s23, $0x2  }
0x19: {  	s23 =	sor.u32 s24, s23  }
0x1a: {  	[tilespmem:s23+$0x5000] =	vst v0  }
0x1b: {  	[spmem:s5] =	stream.linear.scatter [tilespmem:s14], [sflag:$0x1], $0x4000, $0x38;
	[tilespmem:$0x1CC00] =	vst v63  }
0x1c: {  	_ =	swait.ge [sflag:s15], $0x4000  }
0x1d: {  	[sflag:s15] =	ssyncset.done $0x0  }
0x1e: {  	[sflag:s15] =	ssyncadd.s32 $0xFFFFC000  }
0x1f: {  	[spmem:s6] =	stream.linear.scatter [tilespmem:s14], [sflag:$0x1], $0x4000, $0x38;
	[tilespmem:$0x1CC00] =	vst v63  }
0x20: {  	_ =	swait.ge [sflag:s15], $0x4000  }
0x21: {  	[sflag:s15] =	ssyncset.done $0x0  }
0x22: {  	[sflag:s15] =	ssyncadd.s32 $0xFFFFC000  }
0x23: {  	[spmem:s7] =	stream.linear.scatter [tilespmem:s14], [sflag:$0x1], $0x4000, $0x38;
	[tilespmem:$0x1CC00] =	vst v63  }
0x24: {  	_ =	swait.ge [sflag:s15], $0x4000  }
0x25: {  	[sflag:s15] =	ssyncset.done $0x0  }
0x26: {  	[sflag:s15] =	ssyncadd.s32 $0xFFFFC000  }
0x27: {  	[spmem:s8] =	stream.linear.scatter [tilespmem:s14], [sflag:$0x1], $0x4000, $0x38;
	[tilespmem:$0x1CC00] =	vst v63  }
0x28: {  	_ =	swait.ge [sflag:s15], $0x4000  }
0x29: {  	[sflag:s15] =	ssyncset.done $0x0  }
0x2a: {  	[sflag:s15] =	ssyncadd.s32 $0xFFFFC000  }
0x2b: {  	[spmem:s9] =	stream.linear.scatter [tilespmem:s14], [sflag:$0x1], $0x3C00, $0x38;
	[tilespmem:$0x1CC00] =	vst v63  }
0x2c: {  	_ =	swait.ge [sflag:s15], $0x3C00  }
0x2d: {  	[sflag:s15] =	ssyncset.done $0x0  }
0x2e: {  	s21 =	simm.s32 $0x0;
	[sflag:s15] =	ssyncadd.s32 $0xFFFFC400  }
0x2f: {  	[tilespmem:s21], [sflag:$0x1] =	stream.linear.gather [hbm4b:s10+s21], $0x2780, $0x38;
	[tilespmem:$0x1CC00] =	vst v63  }
0x30: {  	_ =	swait.ge [sflag:s15], $0x2780  }
0x31: {  	[sflag:s15] =	ssyncset.done $0x0  }
0x32: {  	[sflag:s15] =	ssyncadd.s32 $0xFFFFD880  }
0x33: {  	[tilespmem:s16], [sflag:$0x1] =	stream.linear.gather [hbm4b:s11+s21], $0x2780, $0x38;
	[tilespmem:$0x1CC00] =	vst v63  }
0x34: {  	_ =	swait.ge [sflag:s15], $0x2780  }
0x35: {  	[sflag:s15] =	ssyncset.done $0x0  }
0x36: {  	[sflag:s15] =	ssyncadd.s32 $0xFFFFD880  }
0x37: {  	s30 =	simm.s32 $0x0;
	[bflag:$0x0] =	sbarrier.arrive $0xFFFF  }
0x38: {  	[tilespmem:s14], [sflag:$0x1] =	stream.indirect.gather [hbm4b:s2+s17], $0x80, s30, s17, $0xb8;
	[tilespmem:$0x1CC00] =	vst v63  }
0x39: {  	_ =	swait.ge [sflag:s15], $0x4000  }
0x3a: {  	[sflag:s15] =	ssyncset.done $0x0  }
0x3b: {  	s31 =	simm.s32 $0x2800;
	[sflag:s15] =	ssyncadd.s32 $0xFFFFC000  }
0x3c: {  	[spmem:s3] =	stream.indirect.scatter.add.f32 [tilespmem:s14], [sflag:$0x1], $0x80, s31, s17, $0xb8;
	[tilespmem:$0x1CC00] =	vst v63  }
0x3d: {  	_ =	swait.ge [sflag:s15], $0x4000  }
0x3e: {  	s22 =	simm.s32 $0x400;
	s21 =	simm.s32 $0x200;
	[sflag:s15] =	ssyncset.done $0x0  }
.LBB2_4:
0x3f: {  	s23 =	sshra.s32 s21, $0x2  }
0x40: {  	[sflag:s15] =	ssyncadd.s32 $0xFFFFC000;
	s21 =	smov.u32 s22;
	s24 =	sadd.s32 $0x200, s22  }
0x41: {  	[tilespmem:s14], [sflag:$0x1] =	stream.indirect.gather [hbm4b:s2+s17], $0x80, s23, s17, $0xb8;
	[tilespmem:$0x1CC00] =	vst v63  }
0x42: {  	p0 =	sne.s32 s22, $0x9C00;
	_ =	swait.ge [sflag:s15], $0x4000  }
.Ltmp1:
0x43: {  	[sflag:s15] =	ssyncset.done $0x0;
	(pc) =	sbr.rel @p0 .LBB2_4-.Ltmp1, $4  }
0x44: {  	s22 =	sadd.s32 $0x2800, s23;
	[sflag:s15] =	ssyncadd.s32 $0xFFFFC000  }
0x45: {  	[spmem:s3] =	stream.indirect.scatter.add.f32 [tilespmem:s14], [sflag:$0x1], $0x80, s22, s17, $0xb8;
	[tilespmem:$0x1CC00] =	vst v63  }
0x46: {  	_ =	swait.ge [sflag:s15], $0x4000  }
0x47: {  	s22 =	smov.u32 s24;
	[sflag:s15] =	ssyncset.done $0x0  }
0x48: {  	s21 =	sshra.s32 s21, $0x2;
	[sflag:s15] =	ssyncadd.s32 $0xFFFFC000  }
0x49: {  	[tilespmem:s14], [sflag:$0x1] =	stream.indirect.gather [hbm4b:s2+s17], $0x80, s21, s17, $0xb8;
	[tilespmem:$0x1CC00] =	vst v63  }
0x4a: {  	_ =	swait.ge [sflag:s15], $0x4000  }
0x4b: {  	[sflag:s15] =	ssyncset.done $0x0  }
0x4c: {  	s21 =	sadd.s32 $0x2800, s21;
	[sflag:s15] =	ssyncadd.s32 $0xFFFFC000  }
0x4d: {  	[spmem:s3] =	stream.indirect.scatter.add.f32 [tilespmem:s14], [sflag:$0x1], $0x80, s21, s17, $0xb8;
	[tilespmem:$0x1CC00] =	vst v63  }
0x4e: {  	_ =	swait.ge [sflag:s15], $0x4000  }
0x4f: {  	s20 =	sadd.s32 $0x1, s20;
	[sflag:s15] =	ssyncset.done $0x0  }
0x50: {  	p0 =	sne.s32 s20, s13;
	[sflag:s15] =	ssyncadd.s32 $0xFFFFC000  }
.Ltmp2:
0x51: {  	[bflag:$0x0] =	sbarrier.arrive $0xFFFF;
	(pc) =	sbr.rel @p0 .LBB2_1-.Ltmp2, $4  }
0x52: {  	[hbm:s12], [sflag:s18] =	dma.local [spmem:s19], $0x2780  }
0x53: {  	_ =	swait.ge [sflag:s15], $0x2780  }
0x54: {  	[sflag:s15] =	ssyncset.done $0x0  }
0x55: {  	[sflag:s15] =	ssyncadd.s32 $0xFFFFD880  }
0x56: {  	_ =	sfence.sel $0x180000  }
0x57: {  	[bflag:$0x0] =	sbarrier.arrive $0xFFFF  }
0x58: {  	p0 =	sne.s32 s0, $0x0;
	_ =	strace $0x90000047  }
0x59: {  	s0 =	sadd.s32 @!p0 $0x100000, s1;
	[bflag:$0x2] =	sbarrier.arrive $0xFFFF  }
0x5a: {  	[sflag:s0] =	ssyncadd.tile.s32 @!p0 $0x1;
	_ =	shalt  }
.Lfunc_end2:
_tile_overlayer_lowered:
.L_overlay_start_2:
0x5b: {  	(tag) =	ssettag $0x2  }
0x5c: {  	s0 =	rddreg [dreg:$0x0];
	s2 =	stileid.u32  }
0x5d: {  	s1 =	rddreg [dreg:$0x1];
	p0 =	sne.s32 s2, $0x0  }
0x5e: {  	s3 =	rddreg [dreg:$0x2];
	[bflag:$0x3] =	sbarrier.arrive $0xFFFF;
	s2 =	simm.s32 @!p0 $0x1C01  }
0x5f: {  	[timem:s3], [sflag:s2] =	dma.local @!p0 [hbm:s0], s1  }
0x60: {  	s0 =	simm.s32 @!p0 $0x1  }
0x61: {  	_ =	swait.ge @!p0 [sflag:s0], s1  }
0x62: {  	s1 =	ssub.s32 @!p0 $0x0, s1;
	[sflag:s0] =	ssyncset.done @!p0 $0x0  }
0x63: {  	[sflag:s0] =	ssyncadd.s32 @!p0 s1  }
0x64: {  	[bflag:$0x3] =	sbarrier.arrive $0xFFFF  }
0x65: {  	_ =	shalt  }

// kernel: kernel.14.cloned.1.call-start
scs
__scs_entry_jumppad:
0x0: {  	(pc) =	sbr.rel $0x88, $3  }
0x1: {  	(tag) =	ssettag $0x0;
	lr =	simm.s32 $0x1  }
0x2: {  	[smem:$0x3F93] =	sst lr;
	_ =	strace $0xD0000000  }
0x3: {  	_ = 	snop  }
0x4: {  	_ = 	snop  }
0x5: {  	_ = 	snop  }
0x6: {  	_ = 	snop  }
0x7: {  	_ = 	snop  }
__scs_overlays_trampoline_lowered:
0x8: {  	[smem:$0x3FA2] =	sst s0  }
0x9: {  	[smem:$0x3FA3] =	sst s1  }
0xa: {  	[smem:$0x3FA4] =	sst s2  }
0xb: {  	[smem:$0x3FA5] =	sst s3  }
0xc: {  	[smem:$0x3FA6] =	sst s4  }
0xd: {  	[smem:$0x3FA7] =	sst s5  }
0xe: {  	[smem:$0x3FA8] =	sst s6  }
0xf: {  	[smem:$0x3FA9] =	sst s7  }
0x10: {  	[smem:$0x3FAA] =	sst s8  }
0x11: {  	[smem:$0x3FAB] =	sst s9;
	s0 =	simm.s32 @!p0 $0x0  }
0x12: {  	s1 =	sld [smem:$0x3F91];
	s0 =	simm.s32 @p0 $0x1  }
0x13: {  	[smem:$0x3FAC] =	sst s0;
	s0 =	simm.s32 @!p1 $0x0  }
0x14: {  	s2 =	sld [smem:$0x3F90];
	s0 =	simm.s32 @p1 $0x1  }
0x15: {  	[smem:$0x3FAD] =	sst s0;
	s0 =	simm.s32 @!p2 $0x0  }
0x16: {  	s3 =	sld [smem:$0x3FDB];
	s0 =	simm.s32 @p2 $0x1  }
0x17: {  	s4 =	simm.s32 $0x1BF5;
	[smem:$0x3FAF] =	sst s0  }
0x18: {  	s0 =	sld [smem:$0x3F92];
	_ =	swait.ge [sflag:s4], $0x0  }
0x19: {  	s7 =	sld [smem:$0x3F93]  }
0x1a: {  	s8 =	sadd.s32 $0xFFFFE003, lr  }
0x1b: {  	s9 =	sadd.s32 $0xFFFFFEF7, lr;
	s5 =	simm.s32 $0xFFFFFFFF;
	p2 =	slt.u32 s8, $0xFFFFF086  }
0x1c: {  	p1 =	slt.u32 s9, $0xF7A;
	s5 =	simm.s32 @!p2 $0x0  }
0x1d: {  	s5 =	simm.s32 @p1 $0x1;
	p0 =	seq.s32 s7, s2  }
0x1e: {  	s7 =	smul.u32 @!p0 $0xF7A, s2;
	p2 =	seq.s32 @!p0 s5, $0x0  }
0x1f: {  	s9 =	smul.u32 $0xF7A, s1;
	s8 =	simm.s32 @!p0 $0x1BF5;
	p2 =	por !p2, p0  }
0x20: {  	[sflag:s8] =	ssyncset.s32 @!p0 $0xFFFFF086;
	s6 =	sadd.s32 @!p0 s3, s7;
	s7 =	simm.s32 @!p0 $0x108  }
0x21: {  	s3 =	sadd.s32 s3, s9;
	s6 =	sadd.s32 @!p0 $0x88, s6;
	s7 =	simm.s32 @p2 $0x1082  }
0x22: {  	[simem:s7], [sflag:s8] =	dma.local @!p0 [hbm:s6], $0xF7A  }
0x23: {  	s9 =	sor.u32 $0xD0000000, s2;
	s6 =	simm.s32 $0x108;
	_ =	swait.ge @!p0 [sflag:s8], $0x0  }
0x24: {  	s3 =	sadd.s32 $0x88, s3;
	s6 =	simm.s32 @!p1 $0x1082;
	[sflag:s4] =	ssyncset.s32 $0xFFFFF086  }
0x25: {  	[simem:s6], [sflag:s4] =	dma.local [hbm:s3], $0xF7A  }
0x26: {  	[smem:$0x3F93] =	sst s1;
	(tag) =	ssettag s2;
	_ =	strace s9  }
0x27: {  	s1 =	sld [smem:$0x3FA3]  }
0x28: {  	s2 =	sld [smem:$0x3FA4]  }
0x29: {  	s4 =	sld [smem:$0x3FA6]  }
0x2a: {  	p0 =	seq.s32 s5, $0x0;
	s5 =	sld [smem:$0x3FA7]  }
0x2b: {  	s6 =	sld [smem:$0x3FA8]  }
0x2c: {  	s7 =	sld [smem:$0x3FA9]  }
0x2d: {  	s3 =	simm.s32 $0x108;
	s8 =	sld [smem:$0x3FAA]  }
0x2e: {  	s3 =	simm.s32 @!p0 $0x1082;
	s9 =	sld [smem:$0x3FAB]  }
0x2f: {  	lr =	sadd.s32 s0, s3;
	s0 =	sld [smem:$0x3FA2]  }
0x30: {  	s3 =	sld [smem:$0x3FA5]  }
0x31: {  	[smem:$0x3FAE] =	sst s10  }
0x32: {  	s10 =	sld [smem:$0x3FAC];
	_ =	sdelay $0x3  }
0x33: {  	p0 =	seq.s32 s10, $0x1;
	s10 =	sld [smem:$0x3FAE];
	_ =	sdelay $0x3  }
0x34: {  	[smem:$0x3FAE] =	sst s10  }
0x35: {  	s10 =	sld [smem:$0x3FAD];
	_ =	sdelay $0x3  }
0x36: {  	p1 =	seq.s32 s10, $0x1;
	s10 =	sld [smem:$0x3FAE];
	_ =	sdelay $0x3  }
0x37: {  	[smem:$0x3FAE] =	sst s10  }
0x38: {  	s10 =	sld [smem:$0x3FAF]  }
0x39: {  	_ = 	snop;
	(pc) =	sbr.ind lr, $3  }
0x3a: {  	_ = 	snop  }
0x3b: {  	_ = 	snop  }
0x3c: {  	p2 =	seq.s32 s10, $0x1;
	s10 =	sld [smem:$0x3FAE]  }
0x3d: {  	_ =	shalt  }
0x3e: {  	_ =	shalt  }
0x3f: {  	_ =	shalt  }
0x40: {  	_ =	shalt  }
0x41: {  	_ =	shalt  }
0x42: {  	_ =	shalt  }
0x43: {  	_ =	shalt  }
0x44: {  	_ =	shalt  }
0x45: {  	_ =	shalt  }
0x46: {  	_ =	shalt  }
0x47: {  	_ =	shalt  }
0x48: {  	_ =	shalt  }
0x49: {  	_ =	shalt  }
0x4a: {  	_ =	shalt  }
0x4b: {  	_ =	shalt  }
0x4c: {  	_ =	shalt  }
0x4d: {  	_ =	shalt  }
0x4e: {  	_ =	shalt  }
0x4f: {  	_ =	shalt  }
0x50: {  	_ =	shalt  }
0x51: {  	_ =	shalt  }
0x52: {  	_ =	shalt  }
0x53: {  	_ =	shalt  }
0x54: {  	_ =	shalt  }
0x55: {  	_ =	shalt  }
0x56: {  	_ =	shalt  }
0x57: {  	_ =	shalt  }
0x58: {  	_ =	shalt  }
0x59: {  	_ =	shalt  }
0x5a: {  	_ =	shalt  }
0x5b: {  	_ =	shalt  }
0x5c: {  	_ =	shalt  }
0x5d: {  	_ =	shalt  }
0x5e: {  	_ =	shalt  }
0x5f: {  	_ =	shalt  }
0x60: {  	_ =	shalt  }
0x61: {  	_ =	shalt  }
0x62: {  	_ =	shalt  }
0x63: {  	_ =	shalt  }
0x64: {  	_ =	shalt  }
0x65: {  	_ =	shalt  }
0x66: {  	_ =	shalt  }
0x67: {  	_ =	shalt  }
0x68: {  	_ =	shalt  }
0x69: {  	_ =	shalt  }
0x6a: {  	_ =	shalt  }
0x6b: {  	_ =	shalt  }
0x6c: {  	_ =	shalt  }
0x6d: {  	_ =	shalt  }
0x6e: {  	_ =	shalt  }
0x6f: {  	_ =	shalt  }
0x70: {  	_ =	shalt  }
0x71: {  	_ =	shalt  }
0x72: {  	_ =	shalt  }
0x73: {  	_ =	shalt  }
0x74: {  	_ =	shalt  }
0x75: {  	_ =	shalt  }
0x76: {  	_ =	shalt  }
0x77: {  	_ =	shalt  }
0x78: {  	_ =	shalt  }
0x79: {  	_ =	shalt  }
0x7a: {  	_ =	shalt  }
0x7b: {  	_ =	shalt  }
0x7c: {  	_ =	shalt  }
0x7d: {  	_ =	shalt  }
0x7e: {  	_ =	shalt  }
0x7f: {  	_ =	shalt  }
0x80: {  	_ =	shalt  }
0x81: {  	_ =	shalt  }
0x82: {  	_ =	shalt  }
0x83: {  	_ =	shalt  }
0x84: {  	_ =	shalt  }
0x85: {  	_ =	shalt  }
0x86: {  	_ =	shalt  }
0x87: {  	_ =	shalt  }
.Lfunc_end0:
.L_simem_size_0:
called_computation.2_lowered:
.L_overlay_start_0:
0x88: {  	s2 =	sld [smem:$0x3FD9]  }
0x89: {  	s3 =	sld [smem:$0x3FFE];
	_ =	sdelay $0x1  }
0x8a: {  	s1 =	srdreg.scid  }
0x8b: {  	s0 =	sand.u32 $0x1, s1  }
0x8c: {  	s17 =	sshll.u32 s0, $0xA;
	s2 =	sadd.s32 s3, s2  }
0x8d: {  	s2 =	sadd.s32 s2, s17  }
0x8e: {  	[smem:$0x3FBA] =	sst s2  }
0x8f: {  	_ = 	snop  }
0x90: {  	s2 =	sld [smem:$0x3FD0];
	(tm) =	ssettm $0x1  }
0x91: {  	s18 =	sld [smem:$0x3FFB];
	_ =	sdelay $0x3  }
0x92: {  	_ =	strace s18  }
0x93: {  	s3 =	sld [smem:$0x3FFC];
	_ =	sdelay $0x3  }
0x94: {  	_ =	strace s3  }
0x95: {  	s3 =	sld [smem:$0x3FFD];
	_ =	sdelay $0x3  }
0x96: {  	_ =	strace s3  }
0x97: {  	_ =	strace $0x8FFFFFFF  }
0x98: {  	s19 =	sld [smem:$0x3FDB];
	_ =	sdelay $0x1  }
0x99: {  	s4 =	simm.s32 $_scs_section_size  }
0x9a: {  	s5 =	simm.s32 $_size__tile_overlayer_lowered;
	s6 =	simm.s32 $_tile_overlayer_lowered  }
0x9b: {  	s22 =	simm.s32 $0x1BFF;
	s21 =	sshll.u32 s6, $0x1;
	s3 =	sadd.s32 s4, s19  }
0x9c: {  	s7 =	simm.s32 $0x0;
	s20 =	sshll.u32 s5, $0x1;
	s5 =	sadd.s32 s21, s3  }
0x9d: {  	[timem:s7], [sflag:s22] =	dma.local [hbm:s5], s20  }
0x9e: {  	_ =	swait.ge [sflag:s22], s20  }
0x9f: {  	s4 =	ssub.s32 $0x0, s20;
	[sflag:s22] =	ssyncset.done $0x0  }
0xa0: {  	[sflag:s22] =	ssyncadd.s32 s4;
	_ =	sdelay $0x1  }
0xa1: {  	s23 =	simm.s32 $0x1B8B  }
0xa2: {  	_ =	swait.ge [sflag:s23], $0x1  }
0xa3: {  	[sflag:s23] =	ssyncset.done $0x0  }
0xa4: {  	s25 =	simm.s32 $0x1B8E;
	s24 =	sld [smem:$0x3FFE];
	[sflag:s23] =	ssyncadd.s32 $0xFFFFFFFF  }
0xa5: {  	s26 =	simm.s32 $execute0_lowered;
	[smem:$0x3FD2] =	sst s25  }
0xa6: {  	s5 =	sshll.u32 s26, $0x1;
	_ =	strace $0x8000004C;
	[dreg:$0x1] =	wrdreg $0xFFFFFFFF  }
0xa7: {  	s28 =	simm.s32 $_size_execute0_lowered;
	s3 =	sadd.s32 s3, s5;
	[dreg:$0x0] =	wrdreg $0x0  }
0xa8: {  	s5 =	sshll.u32 s28, $0x1;
	[dreg:$0x2] =	wrdreg s3  }
0xa9: {  	[dreg:$0x3] =	wrdreg s5  }
0xaa: {  	[dreg:$0x4] =	wrdreg $0xC0  }
0xab: {  	_ =	task [dreg:s7], $0x5FFFF  }
0xac: {  	[dreg:$0x1] =	wrdreg $0xFFFFFFFF  }
0xad: {  	[dreg:$0x0] =	wrdreg $0x60  }
0xae: {  	[dreg:$0x2] =	wrdreg s24  }
0xaf: {  	[dreg:$0x3] =	wrdreg s2  }
0xb0: {  	[dreg:$0x4] =	wrdreg $0x90000  }
0xb1: {  	[dreg:$0x5] =	wrdreg $0x9  }
0xb2: {  	_ =	task.clear_ibuf [dreg:s7], $0x6FFFF;
	_ =	strace $0x9000004C  }
0xb3: {  	s29 =	simm.s32 $0x9;
	_ =	strace $0x8000004E  }
0xb4: {  	_ =	swait.ge [sflag:s29], $0x1  }
0xb5: {  	[sflag:s29] =	ssyncadd.s32 $0xFFFFFFFF  }
0xb6: {  	_ =	strace $0x9000004E  }
0xb7: {  	_ =	sfence  }
0xb8: {  	s30 =	sld [smem:$0x0];
	_ =	sdelay $0x2  }
0xb9: {  	s31 =	sshll.u32 s1, $0xD;
	s1 =	sshrl.u32 s1, $0x2  }
0xba: {  	s3 =	sand.u32 $0x4000, s31;
	s1 =	sadd.s32 s1, s30  }
0xbb: {  	s0 =	sor.u32 s3, s0;
	s1 =	sshll.u32 s1, $0x11  }
0xbc: {  	s0 =	sor.u32 s1, s0  }
0xbd: {  	s0 =	sadd.s32 $0x8F2B, s0  }
0xbe: {  	[sflag:s0] =	ssyncadd.remote.s32 $0x1  }
0xbf: {  	_ =	sfence.sel $0xFFFF  }
0xc0: {  	[dreg:$0x0] =	wrdreg $0xFFFFFFFF;
	(pc) =	sbr.abs _section_cstart, $3  }
0xc1: {  	[dreg:$0x1] =	wrdreg $0xFFFFFFFF  }
0xc2: {  	_ =	task.clear_ibuf [dreg:s7], $0x2FFFF;
	_ =	strace $0x9FFFFFFF  }
0xc3: {  	(tm) =	ssettm $0x7FFFFFFF  }
tec
execute0_lowered:
.L_overlay_start_1:
0x0: {  	(tag) =	ssettag $0x1  }
0x1: {  	s6 =	rddreg [dreg:$0x0]  }
0x2: {  	s2 =	rddreg [dreg:$0x1]  }
0x3: {  	s0 =	srdreg.scid;
	s3 =	rddreg [dreg:$0x2];
	s4 =	simm.s32 $0x0  }
0x4: {  	s14 =	simm.s32 $0x5000;
	s15 =	simm.s32 $0x1;
	s5 =	sand.u32 $0x1, s0  }
0x5: {  	s16 =	simm.s32 $0x2800;
	s0 =	stileid.u32;
	s8 =	smul.u32 $0x13C000, s5  }
0x6: {  	s17 =	simm.s32 $0x80;
	s20 =	simm.s32 $0x0;
	s9 =	smul.u32 $0x13C00, s0  }
0x7: {  	[smem:$0x7FF] =	sst s4;
	s1 =	sshll.u32 s5, $0x4;
	s10 =	smul.u32 $0x4F000, s0  }
0x8: {  	s29 =	ssub.s32 $0x2, s5;
	s18 =	sshll.u32 s0, $0x6;
	s1 =	sor.u32 s0, s1  }
0x9: {  	s31 =	sshrl.u32 s29, $0x1;
	s18 =	sor.u32 $0x1C01, s18;
	s7 =	smul.u32 $0x500, s1  }
0xa: {  	s1 =	rddreg [dreg:$0x3];
	_ =	strace $0x8000004D;
	s30 =	sshrl.u32 s10, $0x2  }
0xb: {  	s28 =	sadd.s32 s9, s8;
	s13 =	ssub.s32 s29, s31;
	s5 =	sadd.s32 s30, s3  }
0xc: {  	s13 =	smax.u32 s13, $0x1;
	s11 =	sadd.s32 s7, s6;
	s7 =	sshrl.u32 s28, $0x3  }
0xd: {  	s8 =	sadd.s32 $0xC000, s5;
	s9 =	sadd.s32 $0x10000, s5;
	s19 =	sshrl.u32 s5, $0x3  }
0xe: {  	s12 =	sadd.s32 s7, s6;
	s6 =	sadd.s32 $0x4000, s5;
	s7 =	sadd.s32 $0x8000, s5  }
0xf: {  	v0 =	vimm.f32 $0.0e+00;
	s10 =	sadd.s32 $0xCC00, s11;
	s11 =	sadd.s32 $0x2C00, s11;
	s12 =	sadd.s32 $0x16C00, s12  }
.LBB2_1:
0x10: {  	s21 =	sand.u32 $0xFE00, s4  }
0x11: {  	s22 =	sand.u32 $0x70, s4;
	s23 =	sshrl.u32 s21, $0x2  }
0x12: {  	s21 =	simm.s32 $0x40;
	s23 =	sor.u32 s22, s23;
	s22 =	simm.s32 $0x0  }
.LBB2_2:
0x13: {  	p0 =	sne.s32 s21, $0xFFC0  }
0x14: {  	[tilespmem:s23+$0x5000] =	vst v0;
	s22 =	sadd.s32 $0x10, s22;
	s23 =	smov.u32 s21;
	s21 =	sadd.s32 $0x40, s21  }
.Ltmp0:
0x15: {  	(pc) =	sbr.rel @p0 .LBB2_2-.Ltmp0, $4  }
0x16: {  	_ = 	snop  }
0x17: {  	s23 =	sand.u32 $0xFE00, s23  }
0x18: {  	s24 =	sand.u32 $0x70, s22;
	s23 =	sshrl.u32 s23, $0x2  }
0x19: {  	s23 =	sor.u32 s24, s23  }
0x1a: {  	[tilespmem:s23+$0x5000] =	vst v0  }
0x1b: {  	[spmem:s5] =	stream.linear.scatter [tilespmem:s14], [sflag:$0x1], $0x4000, $0x38;
	[tilespmem:$0x1CC00] =	vst v63  }
0x1c: {  	_ =	swait.ge [sflag:s15], $0x4000  }
0x1d: {  	[sflag:s15] =	ssyncset.done $0x0  }
0x1e: {  	[sflag:s15] =	ssyncadd.s32 $0xFFFFC000  }
0x1f: {  	[spmem:s6] =	stream.linear.scatter [tilespmem:s14], [sflag:$0x1], $0x4000, $0x38;
	[tilespmem:$0x1CC00] =	vst v63  }
0x20: {  	_ =	swait.ge [sflag:s15], $0x4000  }
0x21: {  	[sflag:s15] =	ssyncset.done $0x0  }
0x22: {  	[sflag:s15] =	ssyncadd.s32 $0xFFFFC000  }
0x23: {  	[spmem:s7] =	stream.linear.scatter [tilespmem:s14], [sflag:$0x1], $0x4000, $0x38;
	[tilespmem:$0x1CC00] =	vst v63  }
0x24: {  	_ =	swait.ge [sflag:s15], $0x4000  }
0x25: {  	[sflag:s15] =	ssyncset.done $0x0  }
0x26: {  	[sflag:s15] =	ssyncadd.s32 $0xFFFFC000  }
0x27: {  	[spmem:s8] =	stream.linear.scatter [tilespmem:s14], [sflag:$0x1], $0x4000, $0x38;
	[tilespmem:$0x1CC00] =	vst v63  }
0x28: {  	_ =	swait.ge [sflag:s15], $0x4000  }
0x29: {  	[sflag:s15] =	ssyncset.done $0x0  }
0x2a: {  	[sflag:s15] =	ssyncadd.s32 $0xFFFFC000  }
0x2b: {  	[spmem:s9] =	stream.linear.scatter [tilespmem:s14], [sflag:$0x1], $0x3C00, $0x38;
	[tilespmem:$0x1CC00] =	vst v63  }
0x2c: {  	_ =	swait.ge [sflag:s15], $0x3C00  }
0x2d: {  	[sflag:s15] =	ssyncset.done $0x0  }
0x2e: {  	s21 =	simm.s32 $0x0;
	[sflag:s15] =	ssyncadd.s32 $0xFFFFC400  }
0x2f: {  	[tilespmem:s21], [sflag:$0x1] =	stream.linear.gather [hbm4b:s10+s21], $0x2780, $0x38;
	[tilespmem:$0x1CC00] =	vst v63  }
0x30: {  	_ =	swait.ge [sflag:s15], $0x2780  }
0x31: {  	[sflag:s15] =	ssyncset.done $0x0  }
0x32: {  	[sflag:s15] =	ssyncadd.s32 $0xFFFFD880  }
0x33: {  	[tilespmem:s16], [sflag:$0x1] =	stream.linear.gather [hbm4b:s11+s21], $0x2780, $0x38;
	[tilespmem:$0x1CC00] =	vst v63  }
0x34: {  	_ =	swait.ge [sflag:s15], $0x2780  }
0x35: {  	[sflag:s15] =	ssyncset.done $0x0  }
0x36: {  	[sflag:s15] =	ssyncadd.s32 $0xFFFFD880  }
0x37: {  	s30 =	simm.s32 $0x0;
	[bflag:$0x0] =	sbarrier.arrive $0xFFFF  }
0x38: {  	[tilespmem:s14], [sflag:$0x1] =	stream.indirect.gather [hbm4b:s2+s17], $0x80, s30, s17, $0xb8;
	[tilespmem:$0x1CC00] =	vst v63  }
0x39: {  	_ =	swait.ge [sflag:s15], $0x4000  }
0x3a: {  	[sflag:s15] =	ssyncset.done $0x0  }
0x3b: {  	s31 =	simm.s32 $0x2800;
	[sflag:s15] =	ssyncadd.s32 $0xFFFFC000  }
0x3c: {  	[spmem:s3] =	stream.indirect.scatter.add.f32 [tilespmem:s14], [sflag:$0x1], $0x80, s31, s17, $0xb8;
	[tilespmem:$0x1CC00] =	vst v63  }
0x3d: {  	_ =	swait.ge [sflag:s15], $0x4000  }
0x3e: {  	s22 =	simm.s32 $0x400;
	s21 =	simm.s32 $0x200;
	[sflag:s15] =	ssyncset.done $0x0  }
.LBB2_4:
0x3f: {  	s23 =	sshra.s32 s21, $0x2  }
0x40: {  	[sflag:s15] =	ssyncadd.s32 $0xFFFFC000;
	s21 =	smov.u32 s22;
	s24 =	sadd.s32 $0x200, s22  }
0x41: {  	[tilespmem:s14], [sflag:$0x1] =	stream.indirect.gather [hbm4b:s2+s17], $0x80, s23, s17, $0xb8;
	[tilespmem:$0x1CC00] =	vst v63  }
0x42: {  	p0 =	sne.s32 s22, $0x9C00;
	_ =	swait.ge [sflag:s15], $0x4000  }
.Ltmp1:
0x43: {  	[sflag:s15] =	ssyncset.done $0x0;
	(pc) =	sbr.rel @p0 .LBB2_4-.Ltmp1, $4  }
0x44: {  	s22 =	sadd.s32 $0x2800, s23;
	[sflag:s15] =	ssyncadd.s32 $0xFFFFC000  }
0x45: {  	[spmem:s3] =	stream.indirect.scatter.add.f32 [tilespmem:s14], [sflag:$0x1], $0x80, s22, s17, $0xb8;
	[tilespmem:$0x1CC00] =	vst v63  }
0x46: {  	_ =	swait.ge [sflag:s15], $0x4000  }
0x47: {  	s22 =	smov.u32 s24;
	[sflag:s15] =	ssyncset.done $0x0  }
0x48: {  	s21 =	sshra.s32 s21, $0x2;
	[sflag:s15] =	ssyncadd.s32 $0xFFFFC000  }
0x49: {  	[tilespmem:s14], [sflag:$0x1] =	stream.indirect.gather [hbm4b:s2+s17], $0x80, s21, s17, $0xb8;
	[tilespmem:$0x1CC00] =	vst v63  }
0x4a: {  	_ =	swait.ge [sflag:s15], $0x4000  }
0x4b: {  	[sflag:s15] =	ssyncset.done $0x0  }
0x4c: {  	s21 =	sadd.s32 $0x2800, s21;
	[sflag:s15] =	ssyncadd.s32 $0xFFFFC000  }
0x4d: {  	[spmem:s3] =	stream.indirect.scatter.add.f32 [tilespmem:s14], [sflag:$0x1], $0x80, s21, s17, $0xb8;
	[tilespmem:$0x1CC00] =	vst v63  }
0x4e: {  	_ =	swait.ge [sflag:s15], $0x4000  }
0x4f: {  	s20 =	sadd.s32 $0x1, s20;
	[sflag:s15] =	ssyncset.done $0x0  }
0x50: {  	p0 =	sne.s32 s20, s13;
	[sflag:s15] =	ssyncadd.s32 $0xFFFFC000  }
.Ltmp2:
0x51: {  	[bflag:$0x0] =	sbarrier.arrive $0xFFFF;
	(pc) =	sbr.rel @p0 .LBB2_1-.Ltmp2, $4  }
0x52: {  	[hbm:s12], [sflag:s18] =	dma.local [spmem:s19], $0x2780  }
0x53: {  	_ =	swait.ge [sflag:s15], $0x2780  }
0x54: {  	[sflag:s15] =	ssyncset.done $0x0  }
0x55: {  	[sflag:s15] =	ssyncadd.s32 $0xFFFFD880  }
0x56: {  	_ =	sfence.sel $0x180000  }
0x57: {  	[bflag:$0x0] =	sbarrier.arrive $0xFFFF  }
0x58: {  	p0 =	sne.s32 s0, $0x0;
	_ =	strace $0x9000004D  }
0x59: {  	s0 =	sadd.s32 @!p0 $0x100000, s1;
	[bflag:$0x2] =	sbarrier.arrive $0xFFFF  }
0x5a: {  	[sflag:s0] =	ssyncadd.tile.s32 @!p0 $0x1;
	_ =	shalt  }
.Lfunc_end2:
_tile_overlayer_lowered:
.L_overlay_start_2:
0x5b: {  	(tag) =	ssettag $0x2  }
0x5c: {  	s0 =	rddreg [dreg:$0x0];
	s2 =	stileid.u32  }
0x5d: {  	s1 =	rddreg [dreg:$0x1];
	p0 =	sne.s32 s2, $0x0  }
0x5e: {  	s3 =	rddreg [dreg:$0x2];
	[bflag:$0x3] =	sbarrier.arrive $0xFFFF;
	s2 =	simm.s32 @!p0 $0x1C01  }
0x5f: {  	[timem:s3], [sflag:s2] =	dma.local @!p0 [hbm:s0], s1  }
0x60: {  	s0 =	simm.s32 @!p0 $0x1  }
0x61: {  	_ =	swait.ge @!p0 [sflag:s0], s1  }
0x62: {  	s1 =	ssub.s32 @!p0 $0x0, s1;
	[sflag:s0] =	ssyncset.done @!p0 $0x0  }
0x63: {  	[sflag:s0] =	ssyncadd.s32 @!p0 s1  }
0x64: {  	[bflag:$0x3] =	sbarrier.arrive $0xFFFF  }
0x65: {  	_ =	shalt  }

// kernel: kernel.8.cloned.1.call-start
scs
__scs_entry_jumppad:
0x0: {  	(pc) =	sbr.rel $0x88, $3  }
0x1: {  	(tag) =	ssettag $0x0;
	lr =	simm.s32 $0x1  }
0x2: {  	[smem:$0x3F93] =	sst lr;
	_ =	strace $0xD0000000  }
0x3: {  	_ = 	snop  }
0x4: {  	_ = 	snop  }
0x5: {  	_ = 	snop  }
0x6: {  	_ = 	snop  }
0x7: {  	_ = 	snop  }
__scs_overlays_trampoline_lowered:
0x8: {  	[smem:$0x3FA2] =	sst s0  }
0x9: {  	[smem:$0x3FA3] =	sst s1  }
0xa: {  	[smem:$0x3FA4] =	sst s2  }
0xb: {  	[smem:$0x3FA5] =	sst s3  }
0xc: {  	[smem:$0x3FA6] =	sst s4  }
0xd: {  	[smem:$0x3FA7] =	sst s5  }
0xe: {  	[smem:$0x3FA8] =	sst s6  }
0xf: {  	[smem:$0x3FA9] =	sst s7  }
0x10: {  	[smem:$0x3FAA] =	sst s8  }
0x11: {  	[smem:$0x3FAB] =	sst s9;
	s0 =	simm.s32 @!p0 $0x0  }
0x12: {  	s1 =	sld [smem:$0x3F91];
	s0 =	simm.s32 @p0 $0x1  }
0x13: {  	[smem:$0x3FAC] =	sst s0;
	s0 =	simm.s32 @!p1 $0x0  }
0x14: {  	s2 =	sld [smem:$0x3F90];
	s0 =	simm.s32 @p1 $0x1  }
0x15: {  	[smem:$0x3FAD] =	sst s0;
	s0 =	simm.s32 @!p2 $0x0  }
0x16: {  	s3 =	sld [smem:$0x3FDB];
	s0 =	simm.s32 @p2 $0x1  }
0x17: {  	s4 =	simm.s32 $0x1BF5;
	[smem:$0x3FAF] =	sst s0  }
0x18: {  	s0 =	sld [smem:$0x3F92];
	_ =	swait.ge [sflag:s4], $0x0  }
0x19: {  	s7 =	sld [smem:$0x3F93]  }
0x1a: {  	s8 =	sadd.s32 $0xFFFFE003, lr  }
0x1b: {  	s9 =	sadd.s32 $0xFFFFFEF7, lr;
	s5 =	simm.s32 $0xFFFFFFFF;
	p2 =	slt.u32 s8, $0xFFFFF086  }
0x1c: {  	p1 =	slt.u32 s9, $0xF7A;
	s5 =	simm.s32 @!p2 $0x0  }
0x1d: {  	s5 =	simm.s32 @p1 $0x1;
	p0 =	seq.s32 s7, s2  }
0x1e: {  	s7 =	smul.u32 @!p0 $0xF7A, s2;
	p2 =	seq.s32 @!p0 s5, $0x0  }
0x1f: {  	s9 =	smul.u32 $0xF7A, s1;
	s8 =	simm.s32 @!p0 $0x1BF5;
	p2 =	por !p2, p0  }
0x20: {  	[sflag:s8] =	ssyncset.s32 @!p0 $0xFFFFF086;
	s6 =	sadd.s32 @!p0 s3, s7;
	s7 =	simm.s32 @!p0 $0x108  }
0x21: {  	s3 =	sadd.s32 s3, s9;
	s6 =	sadd.s32 @!p0 $0x88, s6;
	s7 =	simm.s32 @p2 $0x1082  }
0x22: {  	[simem:s7], [sflag:s8] =	dma.local @!p0 [hbm:s6], $0xF7A  }
0x23: {  	s9 =	sor.u32 $0xD0000000, s2;
	s6 =	simm.s32 $0x108;
	_ =	swait.ge @!p0 [sflag:s8], $0x0  }
0x24: {  	s3 =	sadd.s32 $0x88, s3;
	s6 =	simm.s32 @!p1 $0x1082;
	[sflag:s4] =	ssyncset.s32 $0xFFFFF086  }
0x25: {  	[simem:s6], [sflag:s4] =	dma.local [hbm:s3], $0xF7A  }
0x26: {  	[smem:$0x3F93] =	sst s1;
	(tag) =	ssettag s2;
	_ =	strace s9  }
0x27: {  	s1 =	sld [smem:$0x3FA3]  }
0x28: {  	s2 =	sld [smem:$0x3FA4]  }
0x29: {  	s4 =	sld [smem:$0x3FA6]  }
0x2a: {  	p0 =	seq.s32 s5, $0x0;
	s5 =	sld [smem:$0x3FA7]  }
0x2b: {  	s6 =	sld [smem:$0x3FA8]  }
0x2c: {  	s7 =	sld [smem:$0x3FA9]  }
0x2d: {  	s3 =	simm.s32 $0x108;
	s8 =	sld [smem:$0x3FAA]  }
0x2e: {  	s3 =	simm.s32 @!p0 $0x1082;
	s9 =	sld [smem:$0x3FAB]  }
0x2f: {  	lr =	sadd.s32 s0, s3;
	s0 =	sld [smem:$0x3FA2]  }
0x30: {  	s3 =	sld [smem:$0x3FA5]  }
0x31: {  	[smem:$0x3FAE] =	sst s10  }
0x32: {  	s10 =	sld [smem:$0x3FAC];
	_ =	sdelay $0x3  }
0x33: {  	p0 =	seq.s32 s10, $0x1;
	s10 =	sld [smem:$0x3FAE];
	_ =	sdelay $0x3  }
0x34: {  	[smem:$0x3FAE] =	sst s10  }
0x35: {  	s10 =	sld [smem:$0x3FAD];
	_ =	sdelay $0x3  }
0x36: {  	p1 =	seq.s32 s10, $0x1;
	s10 =	sld [smem:$0x3FAE];
	_ =	sdelay $0x3  }
0x37: {  	[smem:$0x3FAE] =	sst s10  }
0x38: {  	s10 =	sld [smem:$0x3FAF]  }
0x39: {  	_ = 	snop;
	(pc) =	sbr.ind lr, $3  }
0x3a: {  	_ = 	snop  }
0x3b: {  	_ = 	snop  }
0x3c: {  	p2 =	seq.s32 s10, $0x1;
	s10 =	sld [smem:$0x3FAE]  }
0x3d: {  	_ =	shalt  }
0x3e: {  	_ =	shalt  }
0x3f: {  	_ =	shalt  }
0x40: {  	_ =	shalt  }
0x41: {  	_ =	shalt  }
0x42: {  	_ =	shalt  }
0x43: {  	_ =	shalt  }
0x44: {  	_ =	shalt  }
0x45: {  	_ =	shalt  }
0x46: {  	_ =	shalt  }
0x47: {  	_ =	shalt  }
0x48: {  	_ =	shalt  }
0x49: {  	_ =	shalt  }
0x4a: {  	_ =	shalt  }
0x4b: {  	_ =	shalt  }
0x4c: {  	_ =	shalt  }
0x4d: {  	_ =	shalt  }
0x4e: {  	_ =	shalt  }
0x4f: {  	_ =	shalt  }
0x50: {  	_ =	shalt  }
0x51: {  	_ =	shalt  }
0x52: {  	_ =	shalt  }
0x53: {  	_ =	shalt  }
0x54: {  	_ =	shalt  }
0x55: {  	_ =	shalt  }
0x56: {  	_ =	shalt  }
0x57: {  	_ =	shalt  }
0x58: {  	_ =	shalt  }
0x59: {  	_ =	shalt  }
0x5a: {  	_ =	shalt  }
0x5b: {  	_ =	shalt  }
0x5c: {  	_ =	shalt  }
0x5d: {  	_ =	shalt  }
0x5e: {  	_ =	shalt  }
0x5f: {  	_ =	shalt  }
0x60: {  	_ =	shalt  }
0x61: {  	_ =	shalt  }
0x62: {  	_ =	shalt  }
0x63: {  	_ =	shalt  }
0x64: {  	_ =	shalt  }
0x65: {  	_ =	shalt  }
0x66: {  	_ =	shalt  }
0x67: {  	_ =	shalt  }
0x68: {  	_ =	shalt  }
0x69: {  	_ =	shalt  }
0x6a: {  	_ =	shalt  }
0x6b: {  	_ =	shalt  }
0x6c: {  	_ =	shalt  }
0x6d: {  	_ =	shalt  }
0x6e: {  	_ =	shalt  }
0x6f: {  	_ =	shalt  }
0x70: {  	_ =	shalt  }
0x71: {  	_ =	shalt  }
0x72: {  	_ =	shalt  }
0x73: {  	_ =	shalt  }
0x74: {  	_ =	shalt  }
0x75: {  	_ =	shalt  }
0x76: {  	_ =	shalt  }
0x77: {  	_ =	shalt  }
0x78: {  	_ =	shalt  }
0x79: {  	_ =	shalt  }
0x7a: {  	_ =	shalt  }
0x7b: {  	_ =	shalt  }
0x7c: {  	_ =	shalt  }
0x7d: {  	_ =	shalt  }
0x7e: {  	_ =	shalt  }
0x7f: {  	_ =	shalt  }
0x80: {  	_ =	shalt  }
0x81: {  	_ =	shalt  }
0x82: {  	_ =	shalt  }
0x83: {  	_ =	shalt  }
0x84: {  	_ =	shalt  }
0x85: {  	_ =	shalt  }
0x86: {  	_ =	shalt  }
0x87: {  	_ =	shalt  }
.Lfunc_end0:
.L_simem_size_0:
called_computation_lowered:
.L_overlay_start_0:
0x88: {  	s2 =	sld [smem:$0x3FD9]  }
0x89: {  	s3 =	sld [smem:$0x3FFE];
	_ =	sdelay $0x1  }
0x8a: {  	s1 =	srdreg.scid  }
0x8b: {  	s0 =	sand.u32 $0x1, s1  }
0x8c: {  	s17 =	sshll.u32 s0, $0xA;
	s2 =	sadd.s32 s3, s2  }
0x8d: {  	s2 =	sadd.s32 s2, s17  }
0x8e: {  	[smem:$0x3FBA] =	sst s2  }
0x8f: {  	_ = 	snop  }
0x90: {  	(tm) =	ssettm $0x1  }
0x91: {  	s18 =	sld [smem:$0x3FFB];
	_ =	sdelay $0x3  }
0x92: {  	_ =	strace s18  }
0x93: {  	s2 =	sld [smem:$0x3FFC];
	_ =	sdelay $0x3  }
0x94: {  	_ =	strace s2  }
0x95: {  	s2 =	sld [smem:$0x3FFD];
	_ =	sdelay $0x3  }
0x96: {  	_ =	strace s2  }
0x97: {  	_ =	strace $0x8FFFFFFF  }
0x98: {  	s19 =	sld [smem:$0x3FDB];
	_ =	sdelay $0x1  }
0x99: {  	s20 =	simm.s32 $_scs_section_size  }
0x9a: {  	s4 =	simm.s32 $_size__tile_overlayer_lowered;
	s5 =	simm.s32 $_tile_overlayer_lowered  }
0x9b: {  	s6 =	simm.s32 $0x1BFF;
	s21 =	sshll.u32 s5, $0x1;
	s3 =	sadd.s32 s20, s19  }
0x9c: {  	s22 =	simm.s32 $0x0;
	s4 =	sshll.u32 s4, $0x1;
	s5 =	sadd.s32 s21, s3  }
0x9d: {  	[timem:s22], [sflag:s6] =	dma.local [hbm:s5], s4  }
0x9e: {  	_ =	swait.ge [sflag:s6], s4  }
0x9f: {  	s4 =	ssub.s32 $0x0, s4;
	[sflag:s6] =	ssyncset.done $0x0  }
0xa0: {  	[sflag:s6] =	ssyncadd.s32 s4;
	_ =	sdelay $0x1  }
0xa1: {  	s23 =	simm.s32 $0x1B8B  }
0xa2: {  	_ =	swait.ge [sflag:s23], $0x1  }
0xa3: {  	[sflag:s23] =	ssyncset.done $0x0  }
0xa4: {  	[sflag:s23] =	ssyncadd.s32 $0xFFFFFFFF  }
0xa5: {  	s4 =	sld [smem:$0x0]  }
0xa6: {  	s5 =	sand.u32 $0xFFFFFFFE, s1  }
0xa7: {  	p0 =	sne.s32 s1, s5  }
0xa8: {  	s5 =	sshll.u32 @p0 s5, $0xE  }
0xa9: {  	s5 =	sadd.s32 @p0 $0x11B8D, s5;
	s6 =	sshll.u32 @p0 s4, $0x11  }
0xaa: {  	s5 =	sor.u32 @p0 s6, s5  }
0xab: {  	[sflag:s5] =	ssyncadd.remote.s32 @p0 $0x1;
	_ =	sdelay $0x1  }
0xac: {  	s5 =	simm.s32 @p0 $0x1B8D  }
0xad: {  	_ =	swait.eq @p0 [sflag:s5], $0x1  }
0xae: {  	[sflag:s5] =	ssyncadd.s32 @p0 $0xFFFFFFFF  }
0xaf: {  	s6 =	sshll.u32 @!p0 s1, $0xE  }
0xb0: {  	s6 =	sor.u32 @!p0 $0x4000, s6;
	s5 =	simm.s32 @!p0 $0x1B8D  }
0xb1: {  	s4 =	sshll.u32 @!p0 s4, $0x11;
	s6 =	sadd.s32 @!p0 $0x11B8D, s6;
	_ =	swait.eq @!p0 [sflag:s5], $0x1  }
0xb2: {  	s4 =	sor.u32 @!p0 s4, s6;
	[sflag:s5] =	ssyncadd.s32 @!p0 $0xFFFFFFFF  }
0xb3: {  	s25 =	simm.s32 $0x1B8E;
	s24 =	sld [smem:$0x3FFE];
	[sflag:s4] =	ssyncadd.remote.s32 @!p0 $0x1  }
0xb4: {  	s26 =	simm.s32 $execute0_lowered;
	[smem:$0x3FD2] =	sst s25  }
0xb5: {  	s5 =	sshll.u32 s26, $0x1;
	_ =	strace $0x80000049;
	[dreg:$0x1] =	wrdreg $0xFFFFFFFF  }
0xb6: {  	s28 =	simm.s32 $_size_execute0_lowered;
	s3 =	sadd.s32 s3, s5;
	[dreg:$0x0] =	wrdreg $0x0  }
0xb7: {  	s5 =	sshll.u32 s28, $0x1;
	[dreg:$0x2] =	wrdreg s3  }
0xb8: {  	[dreg:$0x3] =	wrdreg s5  }
0xb9: {  	[dreg:$0x4] =	wrdreg $0xC0  }
0xba: {  	_ =	task [dreg:s22], $0x5FFFF  }
0xbb: {  	[dreg:$0x1] =	wrdreg $0xFFFFFFFF  }
0xbc: {  	[dreg:$0x0] =	wrdreg $0x60  }
0xbd: {  	[dreg:$0x2] =	wrdreg s24  }
0xbe: {  	[dreg:$0x3] =	wrdreg $0xA8000  }
0xbf: {  	[dreg:$0x4] =	wrdreg $0x9  }
0xc0: {  	_ =	task.clear_ibuf [dreg:s22], $0x5FFFF;
	_ =	strace $0x90000049  }
0xc1: {  	s29 =	simm.s32 $0x9;
	_ =	strace $0x8000004B  }
0xc2: {  	_ =	swait.ge [sflag:s29], $0x1  }
0xc3: {  	[sflag:s29] =	ssyncadd.s32 $0xFFFFFFFF  }
0xc4: {  	_ =	strace $0x9000004B  }
0xc5: {  	_ =	sfence  }
0xc6: {  	s30 =	sld [smem:$0x0];
	_ =	sdelay $0x2  }
0xc7: {  	s31 =	sshll.u32 s1, $0xD;
	s1 =	sshrl.u32 s1, $0x2  }
0xc8: {  	s4 =	sand.u32 $0x4000, s31;
	s1 =	sadd.s32 s1, s30  }
0xc9: {  	s0 =	sor.u32 s4, s0;
	s1 =	sshll.u32 s1, $0x11  }
0xca: {  	s0 =	sor.u32 s1, s0  }
0xcb: {  	s0 =	sadd.s32 $0x8F2B, s0  }
0xcc: {  	[sflag:s0] =	ssyncadd.remote.s32 $0x1  }
0xcd: {  	_ =	sfence.sel $0xFFFF  }
0xce: {  	[dreg:$0x0] =	wrdreg $0xFFFFFFFF;
	(pc) =	sbr.abs _section_cstart, $3  }
0xcf: {  	[dreg:$0x1] =	wrdreg $0xFFFFFFFF  }
0xd0: {  	_ =	task.clear_ibuf [dreg:s22], $0x2FFFF;
	_ =	strace $0x9FFFFFFF  }
0xd1: {  	(tm) =	ssettm $0x7FFFFFFF  }
tec
execute0_lowered:
.L_overlay_start_1:
0x0: {  	(tag) =	ssettag $0x1  }
0x1: {  	s5 =	rddreg [dreg:$0x0]  }
0x2: {  	s0 =	srdreg.scid;
	s2 =	rddreg [dreg:$0x1];
	s3 =	simm.s32 $0x0  }
0x3: {  	s13 =	simm.s32 $0x1;
	s14 =	simm.s32 $0x80;
	s4 =	sand.u32 $0x1, s0  }
0x4: {  	s15 =	simm.s32 $0x2800;
	s0 =	stileid.u32;
	s7 =	smul.u32 $0x13C000, s4  }
0x5: {  	[smem:$0x7FF] =	sst s3;
	s1 =	sshll.u32 s4, $0x4;
	s8 =	smul.u32 $0x13C00, s0  }
0x6: {  	s9 =	smul.u32 $0x4F000, s0;
	s29 =	ssub.s32 $0x2, s4;
	s16 =	sshll.u32 s0, $0x6  }
0x7: {  	s1 =	sor.u32 s0, s1;
	s31 =	sshrl.u32 s29, $0x1;
	s16 =	sor.u32 $0x1C01, s16  }
0x8: {  	s6 =	smul.u32 $0x500, s1;
	s1 =	rddreg [dreg:$0x2];
	_ =	strace $0x8000004A  }
0x9: {  	s28 =	sadd.s32 s8, s7;
	s30 =	sshrl.u32 s9, $0x2;
	s12 =	ssub.s32 s29, s31  }
0xa: {  	s4 =	sadd.s32 s30, s2;
	s10 =	sadd.s32 s6, s5;
	s6 =	sshrl.u32 s28, $0x3  }
0xb: {  	s7 =	sadd.s32 $0xC000, s4;
	s8 =	sadd.s32 $0x10000, s4;
	s11 =	sadd.s32 s6, s5  }
0xc: {  	s5 =	sadd.s32 $0x4000, s4;
	s6 =	sadd.s32 $0x8000, s4;
	s9 =	sadd.s32 $0x2C00, s10  }
0xd: {  	v0 =	vimm.f32 $0.0e+00;
	v1 =	vimm.f32 $1.000000000e+00;
	s10 =	sadd.s32 $0x65C00, s11;
	s11 =	smax.u32 s12, $0x1;
	s12 =	simm.s32 $0x6800  }
.LBB2_1:
0xe: {  	s17 =	simm.s32 $0x0;
	s18 =	simm.s32 $0x0  }
.LBB2_2:
0xf: {  	p0 =	sne.s32 s18, $0xFFC0  }
.Ltmp0:
0x10: {  	_ = 	snop;
	(pc) =	sbr.rel @p0 .LBB2_2-.Ltmp0, $4  }
0x11: {  	s19 =	sand.u32 $0xFE00, s18  }
0x12: {  	s20 =	sand.u32 $0x70, s17;
	s19 =	sshrl.u32 s19, $0x2  }
0x13: {  	s19 =	sor.u32 s20, s19  }
0x14: {  	s17 =	sadd.s32 $0x10, s17;
	s18 =	sadd.s32 $0x40, s18;
	[tilespmem:s19+$0x6800] =	vst v0  }
0x15: {  	s17 =	simm.s32 $0x0  }
0x16: {  	s18 =	sand.u32 $0xFE00, s17  }
0x17: {  	s19 =	sand.u32 $0x70, s17;
	s20 =	sshrl.u32 s18, $0x2  }
0x18: {  	s18 =	simm.s32 $0x40;
	s19 =	sor.u32 s19, s20  }
.LBB2_4:
0x19: {  	p0 =	sne.s32 s18, $0xFFC0  }
0x1a: {  	[tilespmem:s19+$0x2800] =	vst v1;
	s17 =	sadd.s32 $0x10, s17;
	s19 =	smov.u32 s18;
	s18 =	sadd.s32 $0x40, s18  }
.Ltmp1:
0x1b: {  	(pc) =	sbr.rel @p0 .LBB2_4-.Ltmp1, $4  }
0x1c: {  	_ = 	snop  }
0x1d: {  	s19 =	sand.u32 $0xFE00, s19  }
0x1e: {  	s20 =	sand.u32 $0x70, s17;
	s19 =	sshrl.u32 s19, $0x2  }
0x1f: {  	s19 =	sor.u32 s20, s19  }
0x20: {  	[tilespmem:s19+$0x2800] =	vst v1  }
0x21: {  	[spmem:s4] =	stream.linear.scatter [tilespmem:s12], [sflag:$0x1], $0x4000, $0x38;
	[tilespmem:$0x1E400] =	vst v63  }
0x22: {  	_ =	swait.ge [sflag:s13], $0x4000  }
0x23: {  	[sflag:s13] =	ssyncset.done $0x0  }
0x24: {  	[sflag:s13] =	ssyncadd.s32 $0xFFFFC000  }
0x25: {  	[spmem:s5] =	stream.linear.scatter [tilespmem:s12], [sflag:$0x1], $0x4000, $0x38;
	[tilespmem:$0x1E400] =	vst v63  }
0x26: {  	_ =	swait.ge [sflag:s13], $0x4000  }
0x27: {  	[sflag:s13] =	ssyncset.done $0x0  }
0x28: {  	[sflag:s13] =	ssyncadd.s32 $0xFFFFC000  }
0x29: {  	[spmem:s6] =	stream.linear.scatter [tilespmem:s12], [sflag:$0x1], $0x4000, $0x38;
	[tilespmem:$0x1E400] =	vst v63  }
0x2a: {  	_ =	swait.ge [sflag:s13], $0x4000  }
0x2b: {  	[sflag:s13] =	ssyncset.done $0x0  }
0x2c: {  	[sflag:s13] =	ssyncadd.s32 $0xFFFFC000  }
0x2d: {  	[spmem:s7] =	stream.linear.scatter [tilespmem:s12], [sflag:$0x1], $0x4000, $0x38;
	[tilespmem:$0x1E400] =	vst v63  }
0x2e: {  	_ =	swait.ge [sflag:s13], $0x4000  }
0x2f: {  	[sflag:s13] =	ssyncset.done $0x0  }
0x30: {  	[sflag:s13] =	ssyncadd.s32 $0xFFFFC000  }
0x31: {  	[spmem:s8] =	stream.linear.scatter [tilespmem:s12], [sflag:$0x1], $0x3C00, $0x38;
	[tilespmem:$0x1E400] =	vst v63  }
0x32: {  	_ =	swait.ge [sflag:s13], $0x3C00  }
0x33: {  	[sflag:s13] =	ssyncset.done $0x0  }
0x34: {  	s17 =	simm.s32 $0x0;
	[sflag:s13] =	ssyncadd.s32 $0xFFFFC400  }
0x35: {  	[tilespmem:s17], [sflag:$0x1] =	stream.linear.gather [hbm4b:s9+s17], $0x2780, $0x38;
	[tilespmem:$0x1E400] =	vst v63  }
0x36: {  	_ =	swait.ge [sflag:s13], $0x2780  }
0x37: {  	[sflag:s13] =	ssyncset.done $0x0  }
0x38: {  	[sflag:s13] =	ssyncadd.s32 $0xFFFFD880  }
0x39: {  	s31 =	simm.s32 $0x0;
	[bflag:$0x0] =	sbarrier.arrive $0xFFFF  }
0x3a: {  	[spmem:s2] =	stream.indirect.scatter.add.f32 [tilespmem:s15], [sflag:$0x1], $0x80, s31, s14, $0xb8;
	[tilespmem:$0x1E400] =	vst v63  }
0x3b: {  	_ =	swait.ge [sflag:s13], $0x4000  }
0x3c: {  	s17 =	simm.s32 $0x200;
	[sflag:s13] =	ssyncset.done $0x0  }
.LBB2_6:
0x3d: {  	s18 =	sshra.s32 s17, $0x2;
	[sflag:s13] =	ssyncadd.s32 $0xFFFFC000;
	p0 =	sne.s32 s17, $0x9C00  }
0x3e: {  	[spmem:s2] =	stream.indirect.scatter.add.f32 [tilespmem:s15], [sflag:$0x1], $0x80, s18, s14, $0xb8;
	[tilespmem:$0x1E400] =	vst v63  }
.Ltmp2:
0x3f: {  	_ = 	snop;
	(pc) =	sbr.rel @p0 .LBB2_6-.Ltmp2, $4  }
0x40: {  	_ = 	snop  }
0x41: {  	s17 =	sadd.s32 $0x200, s17  }
0x42: {  	_ =	swait.ge [sflag:s13], $0x4000  }
0x43: {  	[sflag:s13] =	ssyncset.done $0x0  }
0x44: {  	s3 =	sadd.s32 $0x1, s3  }
0x45: {  	[sflag:s13] =	ssyncadd.s32 $0xFFFFC000;
	p0 =	sne.s32 s3, s11  }
.Ltmp3:
0x46: {  	s17 =	sshrl.u32 s4, $0x3;
	[bflag:$0x0] =	sbarrier.arrive $0xFFFF;
	(pc) =	sbr.rel @p0 .LBB2_1-.Ltmp3, $4  }
0x47: {  	[hbm:s10], [sflag:s16] =	dma.local [spmem:s17], $0x2780  }
0x48: {  	_ =	swait.ge [sflag:s13], $0x2780  }
0x49: {  	[sflag:s13] =	ssyncset.done $0x0  }
0x4a: {  	[sflag:s13] =	ssyncadd.s32 $0xFFFFD880  }
0x4b: {  	_ =	sfence.sel $0x180000  }
0x4c: {  	[bflag:$0x0] =	sbarrier.arrive $0xFFFF  }
0x4d: {  	p0 =	sne.s32 s0, $0x0;
	_ =	strace $0x9000004A  }
0x4e: {  	s0 =	sadd.s32 @!p0 $0x100000, s1;
	[bflag:$0x2] =	sbarrier.arrive $0xFFFF  }
0x4f: {  	[sflag:s0] =	ssyncadd.tile.s32 @!p0 $0x1;
	_ =	shalt  }
.Lfunc_end2:
_tile_overlayer_lowered:
.L_overlay_start_2:
0x50: {  	(tag) =	ssettag $0x2  }
0x51: {  	s0 =	rddreg [dreg:$0x0];
	s2 =	stileid.u32  }
0x52: {  	s1 =	rddreg [dreg:$0x1];
	p0 =	sne.s32 s2, $0x0  }
0x53: {  	s3 =	rddreg [dreg:$0x2];
	[bflag:$0x3] =	sbarrier.arrive $0xFFFF;
	s2 =	simm.s32 @!p0 $0x1C01  }
0x54: {  	[timem:s3], [sflag:s2] =	dma.local @!p0 [hbm:s0], s1  }
0x55: {  	s0 =	simm.s32 @!p0 $0x1  }
0x56: {  	_ =	swait.ge @!p0 [sflag:s0], s1  }
0x57: {  	s1 =	ssub.s32 @!p0 $0x0, s1;
	[sflag:s0] =	ssyncset.done @!p0 $0x0  }
0x58: {  	[sflag:s0] =	ssyncadd.s32 @!p0 s1  }
0x59: {  	[bflag:$0x3] =	sbarrier.arrive $0xFFFF  }
0x5a: {  	_ =	shalt  }

</sc_bundles>
